<compile_context>
chip_gen: v7x
topology: tpu7x:2x2x1
jax: 0.10.2.dev20260603
libtpu: 0.0.44.dev20260713+nightly
codegen_flags: <defaults>
</compile_context>

<pallas_src>
import functools

import jax
import jax.numpy as jnp
from jax import lax
from jax.experimental import pallas as pl
from jax.experimental.pallas import tpu as pltpu
from jax.experimental.pallas import tpu_sc as plsc

_NC = 2
_NS = 16
_NW = _NC * _NS

_ROWS_PER_BLOCK = 400
_NUM_GRAPHS = 64


def _make_edge_aggregate(N, H, E, K):
    epw = E // _NW
    nchunk = epw // K
    rpt = -(-N // (_NS * 8)) * 8
    NP = rpt * _NS

    @functools.partial(
        pl.kernel,
        mesh=plsc.VectorSubcoreMesh(core_axis_name="c", subcore_axis_name="s"),
        out_type=jax.ShapeDtypeStruct((_NC * NP, H), jnp.float32),
        scratch_types=[
            pltpu.VMEM((nchunk, K), jnp.int32),
            pltpu.VMEM((nchunk, K), jnp.int32),
            pltpu.VMEM((K, H), jnp.float32),
            pltpu.VMEM_SHARED((NP, H), jnp.float32),
            pltpu.SemaphoreType.DMA,
        ],
    )
    def edge_aggregate(hr_hbm, src_hbm, dst_hbm, zeros_hbm, out_hbm,
                       src_v, dst_v, rows_v, acc_sh, sem):
        c = lax.axis_index("c")
        s = lax.axis_index("s")
        wid = s * _NC + c
        pltpu.sync_copy(zeros_hbm, acc_sh.at[pl.ds(s * rpt, rpt)])
        pltpu.sync_copy(src_hbm.at[wid], src_v)
        pltpu.sync_copy(dst_hbm.at[wid], dst_v)
        plsc.subcore_barrier()

        def body(j, carry):
            pltpu.async_copy(hr_hbm.at[src_v.at[j]], rows_v, sem).wait()
            pltpu.sync_copy(rows_v, acc_sh.at[dst_v.at[j]], add=True)
            return carry

        lax.fori_loop(0, nchunk, body, 0)
        plsc.subcore_barrier()
        pltpu.sync_copy(acc_sh.at[pl.ds(s * rpt, rpt)],
                        out_hbm.at[pl.ds(c * NP + s * rpt, rpt)])

    return edge_aggregate, NP


def _proj_body(x_ref, w_ref, b_ref, h_ref, hr_ref):
    z = jnp.dot(x_ref[...], w_ref[...], preferred_element_type=jnp.float32)
    z = z + b_ref[...]
    h = z * (1.0 / (1.0 + jnp.exp(-z)))
    h_ref[...] = h
    hr_ref[...] = jnp.maximum(h, 0.0)


def _layer_body(h_ref, p_ref, w_ref, b_ref, g_ref, be_ref, hn_ref, hrn_ref):
    h = h_ref[...]
    a = h + p_ref[0] + p_ref[1]
    z = jnp.dot(a, w_ref[...], preferred_element_type=jnp.float32) + b_ref[...]
    mu = jnp.mean(z, axis=-1, keepdims=True)
    zc = z - mu
    var = jnp.mean(zc * zc, axis=-1, keepdims=True)
    zn = zc * lax.rsqrt(var + 1e-5) * g_ref[...] + be_ref[...]
    act = zn * (1.0 / (1.0 + jnp.exp(-zn)))
    out = act + h
    hn_ref[...] = out
    hrn_ref[...] = jnp.maximum(out, 0.0)


def _pool_body(h_ref, b_ref, out_ref, sums, counts):
    i = pl.program_id(0)

    @pl.when(i == 0)
    def _():
        sums[...] = jnp.zeros_like(sums)
        counts[...] = jnp.zeros_like(counts)

    bvec = b_ref[0]
    gids = lax.broadcasted_iota(jnp.int32, (_NUM_GRAPHS, bvec.shape[1]), 0)
    onehot = (bvec == gids).astype(jnp.float32)
    sums[...] += lax.dot_general(onehot, h_ref[...], (((1,), (0,)), ((), ())),
                                 preferred_element_type=jnp.float32)
    counts[...] = counts[...] + jnp.sum(onehot, axis=1, keepdims=True)

    @pl.when(i == pl.num_programs(0) - 1)
    def _():
        out_ref[...] = sums[...] / jnp.maximum(counts[...], 1.0)


def kernel(x, edge_index, batch, W_in, b_in, W, b, gamma, beta):
    N, D = x.shape
    H = W_in.shape[1]
    L = W.shape[0]
    E = edge_index.shape[1]
    RB = _ROWS_PER_BLOCK
    nb = N // RB

    K = 80
    epw = E // _NW
    nchunk = epw // K
    src3 = edge_index[0].reshape(_NW, nchunk, K)
    dst3 = edge_index[1].reshape(_NW, nchunk, K)

    edge_aggregate, NP = _make_edge_aggregate(N, H, E, K)
    rpt = NP // _NS
    zeros = jnp.zeros((rpt, H), jnp.float32)

    full = lambda i: (0, 0)
    row_spec = pl.BlockSpec((RB, H), lambda i: (i, 0))

    proj = pl.pallas_call(
        _proj_body,
        grid=(nb,),
        in_specs=[row_spec,
                  pl.BlockSpec((D, H), full),
                  pl.BlockSpec((1, H), full)],
        out_specs=[row_spec, row_spec],
        out_shape=[jax.ShapeDtypeStruct((N, H), jnp.float32)] * 2,
    )

    layer = pl.pallas_call(
        _layer_body,
        grid=(nb,),
        in_specs=[row_spec,
                  pl.BlockSpec((_NC, RB, H), lambda i: (0, i, 0)),
                  pl.BlockSpec((H, H), full),
                  pl.BlockSpec((1, H), full),
                  pl.BlockSpec((1, H), full),
                  pl.BlockSpec((1, H), full)],
        out_specs=[row_spec, row_spec],
        out_shape=[jax.ShapeDtypeStruct((N, H), jnp.float32)] * 2,
    )

    pool = pl.pallas_call(
        _pool_body,
        grid=(nb,),
        in_specs=[row_spec,
                  pl.BlockSpec((1, 1, RB), lambda i: (i, 0, 0))],
        out_specs=pl.BlockSpec((_NUM_GRAPHS, H), full),
        out_shape=jax.ShapeDtypeStruct((_NUM_GRAPHS, H), jnp.float32),
        scratch_shapes=[pltpu.VMEM((_NUM_GRAPHS, H), jnp.float32),
                        pltpu.VMEM((_NUM_GRAPHS, H), jnp.float32)],
    )

    h, hr = proj(x, W_in, b_in.reshape(1, H))
    for l in range(L):
        part = edge_aggregate(hr, src3, dst3, zeros)
        part = part.reshape(_NC, NP, H)[:, :N, :]
        h, hr = layer(h, part, W[l], b[l].reshape(1, H),
                      gamma[l].reshape(1, H), beta[l].reshape(1, H))
    batch3 = batch.reshape(nb, 1, RB)
    return pool(h, batch3)

# --- scband reference (transcript-rebuilt; emitter-appended) ---
"""Pipeline reference for scband-drug-encoder-12025908429009 (READ-ONLY COPY).

The authoritative reference and input builder live on the scoring server;
editing this copy changes nothing except your own understanding.
"""

import jax, jax.numpy as jnp
import numpy as np

N = 10000
E = 320000
D_IN = 128
H = 128
L = 3
G = 64


def _layer_norm(h, g, b):
    mu = jnp.mean(h, axis=-1, keepdims=True)
    var = jnp.var(h, axis=-1, keepdims=True)
    return (h - mu) / jnp.sqrt(var + 1e-5) * g + b


def setup_inputs(seed: int = 0) -> dict:
    key = jax.random.key(seed)
    ks = jax.random.split(key, 12)
    inp = {}
    inp["x"] = jax.random.normal(ks[0], (N, D_IN), dtype=jnp.float32)
    inp["edge_index"] = jax.random.randint(ks[1], (2, E), 0, N, dtype=jnp.int32)
    inp["batch"] = jnp.sort(jax.random.randint(ks[2], (N,), 0, G, dtype=jnp.int32))
    # in_proj Linear(node_in_dim, hidden)
    inp["W_in"] = jax.random.normal(ks[3], (D_IN, H), dtype=jnp.float32) / np.sqrt(D_IN)
    inp["b_in"] = jax.random.normal(ks[4], (H,), dtype=jnp.float32) * 0.01
    # GINEConv nn = mlp([hidden, hidden]) -> single Linear(hidden, hidden) per layer
    inp["W"] = jax.random.normal(ks[5], (L, H, H), dtype=jnp.float32) / np.sqrt(H)
    inp["b"] = jax.random.normal(ks[6], (L, H), dtype=jnp.float32) * 0.01
    # LayerNorm params per layer
    inp["gamma"] = 1.0 + 0.1 * jax.random.normal(ks[7], (L, H), dtype=jnp.float32)
    inp["beta"] = 0.1 * jax.random.normal(ks[8], (L, H), dtype=jnp.float32)
    return inp


def reference(x, edge_index, batch, W_in, b_in, W, b, gamma, beta):
    # h = act(in_proj(x))
    h = jax.nn.silu(x @ W_in + b_in)
    src = edge_index[0]
    dst = edge_index[1]
    for l in range(L):
        h_res = h
        # GINEConv with no edge_attr, eps=0: out_i = nn(x_i + sum_{j->i} relu(x_j))
        msg = jax.nn.relu(jnp.take(h, src, axis=0))
        aggr = jax.ops.segment_sum(msg, dst, num_segments=N)
        h2 = (h + aggr) @ W[l] + b[l]
        h2 = _layer_norm(h2, gamma[l], beta[l])
        h2 = jax.nn.silu(h2)
        # dropout is identity in eval mode
        h = h2 + h_res
    # global_mean_pool over graph assignment
    sums = jax.ops.segment_sum(h, batch, num_segments=G)
    counts = jax.ops.segment_sum(jnp.ones((N, 1), dtype=h.dtype), batch, num_segments=G)
    g = sums / jnp.maximum(counts, 1.0)
    return g

if __name__ == "__main__":
    import jax
    _d = setup_inputs()
    print(jax.jit(kernel)(*tuple(_d.values())))

</pallas_src>

<mosaic_0001>
#map = affine_map<(d0, d1) -> (0, 0)>
#map1 = affine_map<(d0, d1) -> (0, 0, 0)>
module attributes {stable_mosaic.version = 14 : i64} {
  func.func @edge_aggregate(%arg0: i32, %arg1: i32, %arg2: memref<10000x128xf32, #tpu.memory_space<hbm>>, %arg3: memref<32x125x80xi32, #tpu.memory_space<hbm>>, %arg4: memref<32x125x80xi32, #tpu.memory_space<hbm>>, %arg5: memref<632x128xf32, #tpu.memory_space<hbm>>, %arg6: memref<20224x128xf32, #tpu.memory_space<hbm>>, %arg7: memref<125x80xi32, #tpu.memory_space<vmem>>, %arg8: memref<125x80xi32, #tpu.memory_space<vmem>>, %arg9: memref<80x128xf32, #tpu.memory_space<vmem>>, %arg10: memref<10112x128xf32, #tpu.memory_space<vmem_shared>>, %arg11: memref<!tpu.dma_semaphore, #tpu.memory_space<semaphore_mem>>) attributes {dimension_semantics = [#tpu.dimension_semantics<core_parallel>, #tpu.dimension_semantics<subcore_parallel>], iteration_bounds = array<i64: 2, 16>, scalar_prefetch = 0 : i64, scratch_operands = 5 : i64, tpu.core_type = #tpu.core_type<sc_vector_subcore>, window_params = [{transform_indices = #map}, {transform_indices = #map1}, {transform_indices = #map1}, {transform_indices = #map}, {transform_indices = #map}]} {
    %mul3A = arith.constant 2 : i32
    %mul3A_0 = arith.muli %arg1, %mul3A : i32
    %add3A = arith.addi %mul3A_0, %arg0 : i32
    %mul3A_1 = arith.constant 632 : i32
    %mul3A_2 = arith.muli %arg1, %mul3A_1 : i32
    "tpu.region"() ({
      %run_scoped3A = tpu.sem_alloc : memref<!tpu.dma_semaphore, #tpu.memory_space<semaphore_mem>>
      %dma_start3A = arith.constant 0 : i32
      %dma_start3A_16 = tpu.memref_slice %arg10[%mul3A_2, %dma_start3A] : memref<10112x128xf32, #tpu.memory_space<vmem_shared>> -> memref<632x128xf32, #tpu.memory_space<vmem_shared>>
      tpu.enqueue_dma source(%arg5 : memref<632x128xf32, #tpu.memory_space<hbm>>) target(%dma_start3A_16 : memref<632x128xf32, #tpu.memory_space<vmem_shared>>) target_semaphore(%run_scoped3A : memref<!tpu.dma_semaphore, #tpu.memory_space<semaphore_mem>>)
      %dma_wait3A = arith.constant 0 : i32
      %dma_wait3A_17 = tpu.memref_slice %arg10[%mul3A_2, %dma_wait3A] : memref<10112x128xf32, #tpu.memory_space<vmem_shared>> -> memref<632x128xf32, #tpu.memory_space<vmem_shared>>
      tpu.wait_dma2 semaphore(%run_scoped3A : memref<!tpu.dma_semaphore, #tpu.memory_space<semaphore_mem>>) src(%arg5 : memref<632x128xf32, #tpu.memory_space<hbm>>) dst(%dma_wait3A_17 : memref<632x128xf32, #tpu.memory_space<vmem_shared>>)
      tpu.yield
    }) : () -> ()
    "tpu.region"() ({
      %run_scoped3A = tpu.sem_alloc : memref<!tpu.dma_semaphore, #tpu.memory_space<semaphore_mem>>
      %dma_start3A = arith.constant 0 : i32
      %dma_start3A_16 = arith.constant 0 : i32
      %dma_start3A_17 = tpu.memref_slice %arg3[%add3A, %dma_start3A, %dma_start3A_16] : memref<32x125x80xi32, #tpu.memory_space<hbm>> -> memref<1x125x80xi32, #tpu.memory_space<hbm>>
      %dma_start3A_18 = tpu.memref_squeeze %dma_start3A_17 : memref<1x125x80xi32, #tpu.memory_space<hbm>> -> memref<125x80xi32, #tpu.memory_space<hbm>>
      %dma_start3A_19 = arith.constant 0 : i32
      %dma_start3A_20 = arith.constant 0 : i32
      %dma_start3A_21 = tpu.memref_slice %arg3[%add3A, %dma_start3A_19, %dma_start3A_20] : memref<32x125x80xi32, #tpu.memory_space<hbm>> -> memref<1x125x80xi32, #tpu.memory_space<hbm>>
      %dma_start3A_22 = tpu.memref_squeeze %dma_start3A_21 : memref<1x125x80xi32, #tpu.memory_space<hbm>> -> memref<125x80xi32, #tpu.memory_space<hbm>>
      tpu.enqueue_dma source(%dma_start3A_22 : memref<125x80xi32, #tpu.memory_space<hbm>>) target(%arg7 : memref<125x80xi32, #tpu.memory_space<vmem>>) target_semaphore(%run_scoped3A : memref<!tpu.dma_semaphore, #tpu.memory_space<semaphore_mem>>)
      %dma_wait3A = arith.constant 0 : i32
      %dma_wait3A_23 = arith.constant 0 : i32
      %dma_wait3A_24 = tpu.memref_slice %arg3[%add3A, %dma_wait3A, %dma_wait3A_23] : memref<32x125x80xi32, #tpu.memory_space<hbm>> -> memref<1x125x80xi32, #tpu.memory_space<hbm>>
      %dma_wait3A_25 = tpu.memref_squeeze %dma_wait3A_24 : memref<1x125x80xi32, #tpu.memory_space<hbm>> -> memref<125x80xi32, #tpu.memory_space<hbm>>
      %dma_wait3A_26 = arith.constant 0 : i32
      %dma_wait3A_27 = arith.constant 0 : i32
      %dma_wait3A_28 = tpu.memref_slice %arg3[%add3A, %dma_wait3A_26, %dma_wait3A_27] : memref<32x125x80xi32, #tpu.memory_space<hbm>> -> memref<1x125x80xi32, #tpu.memory_space<hbm>>
      %dma_wait3A_29 = tpu.memref_squeeze %dma_wait3A_28 : memref<1x125x80xi32, #tpu.memory_space<hbm>> -> memref<125x80xi32, #tpu.memory_space<hbm>>
      tpu.wait_dma2 semaphore(%run_scoped3A : memref<!tpu.dma_semaphore, #tpu.memory_space<semaphore_mem>>) src(%dma_wait3A_29 : memref<125x80xi32, #tpu.memory_space<hbm>>) dst(%arg7 : memref<125x80xi32, #tpu.memory_space<vmem>>)
      tpu.yield
    }) : () -> ()
    "tpu.region"() ({
      %run_scoped3A = tpu.sem_alloc : memref<!tpu.dma_semaphore, #tpu.memory_space<semaphore_mem>>
      %dma_start3A = arith.constant 0 : i32
      %dma_start3A_16 = arith.constant 0 : i32
      %dma_start3A_17 = tpu.memref_slice %arg4[%add3A, %dma_start3A, %dma_start3A_16] : memref<32x125x80xi32, #tpu.memory_space<hbm>> -> memref<1x125x80xi32, #tpu.memory_space<hbm>>
      %dma_start3A_18 = tpu.memref_squeeze %dma_start3A_17 : memref<1x125x80xi32, #tpu.memory_space<hbm>> -> memref<125x80xi32, #tpu.memory_space<hbm>>
      %dma_start3A_19 = arith.constant 0 : i32
      %dma_start3A_20 = arith.constant 0 : i32
      %dma_start3A_21 = tpu.memref_slice %arg4[%add3A, %dma_start3A_19, %dma_start3A_20] : memref<32x125x80xi32, #tpu.memory_space<hbm>> -> memref<1x125x80xi32, #tpu.memory_space<hbm>>
      %dma_start3A_22 = tpu.memref_squeeze %dma_start3A_21 : memref<1x125x80xi32, #tpu.memory_space<hbm>> -> memref<125x80xi32, #tpu.memory_space<hbm>>
      tpu.enqueue_dma source(%dma_start3A_22 : memref<125x80xi32, #tpu.memory_space<hbm>>) target(%arg8 : memref<125x80xi32, #tpu.memory_space<vmem>>) target_semaphore(%run_scoped3A : memref<!tpu.dma_semaphore, #tpu.memory_space<semaphore_mem>>)
      %dma_wait3A = arith.constant 0 : i32
      %dma_wait3A_23 = arith.constant 0 : i32
      %dma_wait3A_24 = tpu.memref_slice %arg4[%add3A, %dma_wait3A, %dma_wait3A_23] : memref<32x125x80xi32, #tpu.memory_space<hbm>> -> memref<1x125x80xi32, #tpu.memory_space<hbm>>
      %dma_wait3A_25 = tpu.memref_squeeze %dma_wait3A_24 : memref<1x125x80xi32, #tpu.memory_space<hbm>> -> memref<125x80xi32, #tpu.memory_space<hbm>>
      %dma_wait3A_26 = arith.constant 0 : i32
      %dma_wait3A_27 = arith.constant 0 : i32
      %dma_wait3A_28 = tpu.memref_slice %arg4[%add3A, %dma_wait3A_26, %dma_wait3A_27] : memref<32x125x80xi32, #tpu.memory_space<hbm>> -> memref<1x125x80xi32, #tpu.memory_space<hbm>>
      %dma_wait3A_29 = tpu.memref_squeeze %dma_wait3A_28 : memref<1x125x80xi32, #tpu.memory_space<hbm>> -> memref<125x80xi32, #tpu.memory_space<hbm>>
      tpu.wait_dma2 semaphore(%run_scoped3A : memref<!tpu.dma_semaphore, #tpu.memory_space<semaphore_mem>>) src(%dma_wait3A_29 : memref<125x80xi32, #tpu.memory_space<hbm>>) dst(%arg8 : memref<125x80xi32, #tpu.memory_space<vmem>>)
      tpu.yield
    }) : () -> ()
    %barrier3A = arith.constant 0 : index
    tpu.barrier barrier_id(%barrier3A)
    %scan3A = arith.constant 0 : i32
    %scan3A_3 = arith.constant 0 : i32
    %scan3A_4 = arith.constant 125 : i32
    %scan3A_5 = arith.addi %scan3A_3, %scan3A_4 : i32
    %scan3A_6 = arith.constant 1 : i32
    scf.for %scan3A_16 = %scan3A_3 to %scan3A_5 step %scan3A_6  : i32 {
      %dma_start3A = arith.constant 0 : i32
      %dma_start3A_17 = tpu.memref_slice %arg7[%scan3A_16, %dma_start3A] : memref<125x80xi32, #tpu.memory_space<vmem>> -> memref<1x80xi32, #tpu.memory_space<vmem>>
      %dma_start3A_18 = tpu.memref_squeeze %dma_start3A_17 : memref<1x80xi32, #tpu.memory_space<vmem>> -> memref<80xi32, #tpu.memory_space<vmem>>
      %dma_start3A_19 = arith.constant 0 : i32
      %dma_start3A_20 = arith.constant 0 : i32
      %dma_start3A_21 = tpu.memref_slice %arg2[%dma_start3A_19, %dma_start3A_20] : memref<10000x128xf32, #tpu.memory_space<hbm>> -> memref<10000x128xf32, #tpu.memory_space<hbm>>
      tpu.enqueue_indirect_dma source(%dma_start3A_21 : memref<10000x128xf32, #tpu.memory_space<hbm>>) target(%arg9 : memref<80x128xf32, #tpu.memory_space<vmem>>) offsets(%dma_start3A_18 : memref<80xi32, #tpu.memory_space<vmem>>) semaphore(%arg11 : memref<!tpu.dma_semaphore, #tpu.memory_space<semaphore_mem>>)
      %dma_wait3A = arith.constant 0 : i32
      %dma_wait3A_22 = tpu.memref_slice %arg7[%scan3A_16, %dma_wait3A] : memref<125x80xi32, #tpu.memory_space<vmem>> -> memref<1x80xi32, #tpu.memory_space<vmem>>
      %dma_wait3A_23 = tpu.memref_squeeze %dma_wait3A_22 : memref<1x80xi32, #tpu.memory_space<vmem>> -> memref<80xi32, #tpu.memory_space<vmem>>
      %dma_wait3A_24 = arith.constant 0 : i32
      %dma_wait3A_25 = arith.constant 0 : i32
      %dma_wait3A_26 = tpu.memref_slice %arg2[%dma_wait3A_24, %dma_wait3A_25] : memref<10000x128xf32, #tpu.memory_space<hbm>> -> memref<10000x128xf32, #tpu.memory_space<hbm>>
      tpu.wait_indirect_dma semaphore(%arg11 : memref<!tpu.dma_semaphore, #tpu.memory_space<semaphore_mem>>) src(%dma_wait3A_26 : memref<10000x128xf32, #tpu.memory_space<hbm>>) dst(%arg9 : memref<80x128xf32, #tpu.memory_space<vmem>>)
      "tpu.region"() ({
        %run_scoped3A = tpu.sem_alloc : memref<!tpu.dma_semaphore, #tpu.memory_space<semaphore_mem>>
        %dma_start3A_27 = arith.constant 0 : i32
        %dma_start3A_28 = tpu.memref_slice %arg8[%scan3A_16, %dma_start3A_27] : memref<125x80xi32, #tpu.memory_space<vmem>> -> memref<1x80xi32, #tpu.memory_space<vmem>>
        %dma_start3A_29 = tpu.memref_squeeze %dma_start3A_28 : memref<1x80xi32, #tpu.memory_space<vmem>> -> memref<80xi32, #tpu.memory_space<vmem>>
        %dma_start3A_30 = arith.constant 0 : i32
        %dma_start3A_31 = arith.constant 0 : i32
        %dma_start3A_32 = tpu.memref_slice %arg10[%dma_start3A_30, %dma_start3A_31] : memref<10112x128xf32, #tpu.memory_space<vmem_shared>> -> memref<10112x128xf32, #tpu.memory_space<vmem_shared>>
        tpu.enqueue_indirect_dma source(%arg9 : memref<80x128xf32, #tpu.memory_space<vmem>>) target(%dma_start3A_32 : memref<10112x128xf32, #tpu.memory_space<vmem_shared>>) offsets(%dma_start3A_29 : memref<80xi32, #tpu.memory_space<vmem>>) semaphore(%run_scoped3A : memref<!tpu.dma_semaphore, #tpu.memory_space<semaphore_mem>>) {add = true}
        %dma_wait3A_33 = arith.constant 0 : i32
        %dma_wait3A_34 = tpu.memref_slice %arg8[%scan3A_16, %dma_wait3A_33] : memref<125x80xi32, #tpu.memory_space<vmem>> -> memref<1x80xi32, #tpu.memory_space<vmem>>
        %dma_wait3A_35 = tpu.memref_squeeze %dma_wait3A_34 : memref<1x80xi32, #tpu.memory_space<vmem>> -> memref<80xi32, #tpu.memory_space<vmem>>
        %dma_wait3A_36 = arith.constant 0 : i32
        %dma_wait3A_37 = arith.constant 0 : i32
        %dma_wait3A_38 = tpu.memref_slice %arg10[%dma_wait3A_36, %dma_wait3A_37] : memref<10112x128xf32, #tpu.memory_space<vmem_shared>> -> memref<10112x128xf32, #tpu.memory_space<vmem_shared>>
        tpu.wait_indirect_dma semaphore(%run_scoped3A : memref<!tpu.dma_semaphore, #tpu.memory_space<semaphore_mem>>) src(%arg9 : memref<80x128xf32, #tpu.memory_space<vmem>>) dst(%dma_wait3A_38 : memref<10112x128xf32, #tpu.memory_space<vmem_shared>>)
        tpu.yield
      }) : () -> ()
    }
    %scan3A_7 = arith.constant 125 : i32
    %barrier3A_8 = arith.constant 0 : index
    tpu.barrier barrier_id(%barrier3A_8)
    %mul3A_9 = arith.constant 632 : i32
    %mul3A_10 = arith.muli %arg1, %mul3A_9 : i32
    %mul3A_11 = arith.constant 10112 : i32
    %mul3A_12 = arith.muli %arg0, %mul3A_11 : i32
    %mul3A_13 = arith.constant 632 : i32
    %mul3A_14 = arith.muli %arg1, %mul3A_13 : i32
    %add3A_15 = arith.addi %mul3A_12, %mul3A_14 : i32
    "tpu.region"() ({
      %run_scoped3A = tpu.sem_alloc : memref<!tpu.dma_semaphore, #tpu.memory_space<semaphore_mem>>
      %dma_start3A = arith.constant 0 : i32
      %dma_start3A_16 = tpu.memref_slice %arg6[%add3A_15, %dma_start3A] : memref<20224x128xf32, #tpu.memory_space<hbm>> -> memref<632x128xf32, #tpu.memory_space<hbm>>
      %dma_start3A_17 = arith.constant 0 : i32
      %dma_start3A_18 = tpu.memref_slice %arg10[%mul3A_10, %dma_start3A_17] : memref<10112x128xf32, #tpu.memory_space<vmem_shared>> -> memref<632x128xf32, #tpu.memory_space<vmem_shared>>
      tpu.enqueue_dma source(%dma_start3A_18 : memref<632x128xf32, #tpu.memory_space<vmem_shared>>) target(%dma_start3A_16 : memref<632x128xf32, #tpu.memory_space<hbm>>) target_semaphore(%run_scoped3A : memref<!tpu.dma_semaphore, #tpu.memory_space<semaphore_mem>>)
      %dma_wait3A = arith.constant 0 : i32
      %dma_wait3A_19 = tpu.memref_slice %arg6[%add3A_15, %dma_wait3A] : memref<20224x128xf32, #tpu.memory_space<hbm>> -> memref<632x128xf32, #tpu.memory_space<hbm>>
      %dma_wait3A_20 = arith.constant 0 : i32
      %dma_wait3A_21 = tpu.memref_slice %arg10[%mul3A_10, %dma_wait3A_20] : memref<10112x128xf32, #tpu.memory_space<vmem_shared>> -> memref<632x128xf32, #tpu.memory_space<vmem_shared>>
      tpu.wait_dma2 semaphore(%run_scoped3A : memref<!tpu.dma_semaphore, #tpu.memory_space<semaphore_mem>>) src(%dma_wait3A_21 : memref<632x128xf32, #tpu.memory_space<vmem_shared>>) dst(%dma_wait3A_19 : memref<632x128xf32, #tpu.memory_space<hbm>>)
      tpu.yield
    }) : () -> ()
    return
  }
}

#map = affine_map<(d0, d1) -> (0, 0)>
#map1 = affine_map<(d0, d1) -> (0, 0, 0)>
module attributes {stable_mosaic.version = 14 : i64} {
  func.func @edge_aggregate(%arg0: i32, %arg1: i32, %arg2: memref<10000x128xf32, #tpu.memory_space<hbm>>, %arg3: memref<32x125x80xi32, #tpu.memory_space<hbm>>, %arg4: memref<32x125x80xi32, #tpu.memory_space<hbm>>, %arg5: memref<632x128xf32, #tpu.memory_space<hbm>>, %arg6: memref<20224x128xf32, #tpu.memory_space<hbm>>, %arg7: memref<125x80xi32, #tpu.memory_space<vmem>>, %arg8: memref<125x80xi32, #tpu.memory_space<vmem>>, %arg9: memref<80x128xf32, #tpu.memory_space<vmem>>, %arg10: memref<10112x128xf32, #tpu.memory_space<vmem_shared>>, %arg11: memref<!tpu.dma_semaphore, #tpu.memory_space<semaphore_mem>>) attributes {dimension_semantics = [#tpu.dimension_semantics<core_parallel>, #tpu.dimension_semantics<subcore_parallel>], iteration_bounds = array<i64: 2, 16>, scalar_prefetch = 0 : i64, scratch_operands = 5 : i64, tpu.core_type = #tpu.core_type<sc_vector_subcore>, window_params = [{transform_indices = #map}, {transform_indices = #map1}, {transform_indices = #map1}, {transform_indices = #map}, {transform_indices = #map}]} {
    %mul3A = arith.constant 2 : i32
    %mul3A_0 = arith.muli %arg1, %mul3A : i32
    %add3A = arith.addi %mul3A_0, %arg0 : i32
    %mul3A_1 = arith.constant 632 : i32
    %mul3A_2 = arith.muli %arg1, %mul3A_1 : i32
    "tpu.region"() ({
      %run_scoped3A = tpu.sem_alloc : memref<!tpu.dma_semaphore, #tpu.memory_space<semaphore_mem>>
      %dma_start3A = arith.constant 0 : i32
      %dma_start3A_16 = tpu.memref_slice %arg10[%mul3A_2, %dma_start3A] : memref<10112x128xf32, #tpu.memory_space<vmem_shared>> -> memref<632x128xf32, #tpu.memory_space<vmem_shared>>
      tpu.enqueue_dma source(%arg5 : memref<632x128xf32, #tpu.memory_space<hbm>>) target(%dma_start3A_16 : memref<632x128xf32, #tpu.memory_space<vmem_shared>>) target_semaphore(%run_scoped3A : memref<!tpu.dma_semaphore, #tpu.memory_space<semaphore_mem>>)
      %dma_wait3A = arith.constant 0 : i32
      %dma_wait3A_17 = tpu.memref_slice %arg10[%mul3A_2, %dma_wait3A] : memref<10112x128xf32, #tpu.memory_space<vmem_shared>> -> memref<632x128xf32, #tpu.memory_space<vmem_shared>>
      tpu.wait_dma2 semaphore(%run_scoped3A : memref<!tpu.dma_semaphore, #tpu.memory_space<semaphore_mem>>) src(%arg5 : memref<632x128xf32, #tpu.memory_space<hbm>>) dst(%dma_wait3A_17 : memref<632x128xf32, #tpu.memory_space<vmem_shared>>)
      tpu.yield
    }) : () -> ()
    "tpu.region"() ({
      %run_scoped3A = tpu.sem_alloc : memref<!tpu.dma_semaphore, #tpu.memory_space<semaphore_mem>>
      %dma_start3A = arith.constant 0 : i32
      %dma_start3A_16 = arith.constant 0 : i32
      %dma_start3A_17 = tpu.memref_slice %arg3[%add3A, %dma_start3A, %dma_start3A_16] : memref<32x125x80xi32, #tpu.memory_space<hbm>> -> memref<1x125x80xi32, #tpu.memory_space<hbm>>
      %dma_start3A_18 = tpu.memref_squeeze %dma_start3A_17 : memref<1x125x80xi32, #tpu.memory_space<hbm>> -> memref<125x80xi32, #tpu.memory_space<hbm>>
      %dma_start3A_19 = arith.constant 0 : i32
      %dma_start3A_20 = arith.constant 0 : i32
      %dma_start3A_21 = tpu.memref_slice %arg3[%add3A, %dma_start3A_19, %dma_start3A_20] : memref<32x125x80xi32, #tpu.memory_space<hbm>> -> memref<1x125x80xi32, #tpu.memory_space<hbm>>
      %dma_start3A_22 = tpu.memref_squeeze %dma_start3A_21 : memref<1x125x80xi32, #tpu.memory_space<hbm>> -> memref<125x80xi32, #tpu.memory_space<hbm>>
      tpu.enqueue_dma source(%dma_start3A_22 : memref<125x80xi32, #tpu.memory_space<hbm>>) target(%arg7 : memref<125x80xi32, #tpu.memory_space<vmem>>) target_semaphore(%run_scoped3A : memref<!tpu.dma_semaphore, #tpu.memory_space<semaphore_mem>>)
      %dma_wait3A = arith.constant 0 : i32
      %dma_wait3A_23 = arith.constant 0 : i32
      %dma_wait3A_24 = tpu.memref_slice %arg3[%add3A, %dma_wait3A, %dma_wait3A_23] : memref<32x125x80xi32, #tpu.memory_space<hbm>> -> memref<1x125x80xi32, #tpu.memory_space<hbm>>
      %dma_wait3A_25 = tpu.memref_squeeze %dma_wait3A_24 : memref<1x125x80xi32, #tpu.memory_space<hbm>> -> memref<125x80xi32, #tpu.memory_space<hbm>>
      %dma_wait3A_26 = arith.constant 0 : i32
      %dma_wait3A_27 = arith.constant 0 : i32
      %dma_wait3A_28 = tpu.memref_slice %arg3[%add3A, %dma_wait3A_26, %dma_wait3A_27] : memref<32x125x80xi32, #tpu.memory_space<hbm>> -> memref<1x125x80xi32, #tpu.memory_space<hbm>>
      %dma_wait3A_29 = tpu.memref_squeeze %dma_wait3A_28 : memref<1x125x80xi32, #tpu.memory_space<hbm>> -> memref<125x80xi32, #tpu.memory_space<hbm>>
      tpu.wait_dma2 semaphore(%run_scoped3A : memref<!tpu.dma_semaphore, #tpu.memory_space<semaphore_mem>>) src(%dma_wait3A_29 : memref<125x80xi32, #tpu.memory_space<hbm>>) dst(%arg7 : memref<125x80xi32, #tpu.memory_space<vmem>>)
      tpu.yield
    }) : () -> ()
    "tpu.region"() ({
      %run_scoped3A = tpu.sem_alloc : memref<!tpu.dma_semaphore, #tpu.memory_space<semaphore_mem>>
      %dma_start3A = arith.constant 0 : i32
      %dma_start3A_16 = arith.constant 0 : i32
      %dma_start3A_17 = tpu.memref_slice %arg4[%add3A, %dma_start3A, %dma_start3A_16] : memref<32x125x80xi32, #tpu.memory_space<hbm>> -> memref<1x125x80xi32, #tpu.memory_space<hbm>>
      %dma_start3A_18 = tpu.memref_squeeze %dma_start3A_17 : memref<1x125x80xi32, #tpu.memory_space<hbm>> -> memref<125x80xi32, #tpu.memory_space<hbm>>
      %dma_start3A_19 = arith.constant 0 : i32
      %dma_start3A_20 = arith.constant 0 : i32
      %dma_start3A_21 = tpu.memref_slice %arg4[%add3A, %dma_start3A_19, %dma_start3A_20] : memref<32x125x80xi32, #tpu.memory_space<hbm>> -> memref<1x125x80xi32, #tpu.memory_space<hbm>>
      %dma_start3A_22 = tpu.memref_squeeze %dma_start3A_21 : memref<1x125x80xi32, #tpu.memory_space<hbm>> -> memref<125x80xi32, #tpu.memory_space<hbm>>
      tpu.enqueue_dma source(%dma_start3A_22 : memref<125x80xi32, #tpu.memory_space<hbm>>) target(%arg8 : memref<125x80xi32, #tpu.memory_space<vmem>>) target_semaphore(%run_scoped3A : memref<!tpu.dma_semaphore, #tpu.memory_space<semaphore_mem>>)
      %dma_wait3A = arith.constant 0 : i32
      %dma_wait3A_23 = arith.constant 0 : i32
      %dma_wait3A_24 = tpu.memref_slice %arg4[%add3A, %dma_wait3A, %dma_wait3A_23] : memref<32x125x80xi32, #tpu.memory_space<hbm>> -> memref<1x125x80xi32, #tpu.memory_space<hbm>>
      %dma_wait3A_25 = tpu.memref_squeeze %dma_wait3A_24 : memref<1x125x80xi32, #tpu.memory_space<hbm>> -> memref<125x80xi32, #tpu.memory_space<hbm>>
      %dma_wait3A_26 = arith.constant 0 : i32
      %dma_wait3A_27 = arith.constant 0 : i32
      %dma_wait3A_28 = tpu.memref_slice %arg4[%add3A, %dma_wait3A_26, %dma_wait3A_27] : memref<32x125x80xi32, #tpu.memory_space<hbm>> -> memref<1x125x80xi32, #tpu.memory_space<hbm>>
      %dma_wait3A_29 = tpu.memref_squeeze %dma_wait3A_28 : memref<1x125x80xi32, #tpu.memory_space<hbm>> -> memref<125x80xi32, #tpu.memory_space<hbm>>
      tpu.wait_dma2 semaphore(%run_scoped3A : memref<!tpu.dma_semaphore, #tpu.memory_space<semaphore_mem>>) src(%dma_wait3A_29 : memref<125x80xi32, #tpu.memory_space<hbm>>) dst(%arg8 : memref<125x80xi32, #tpu.memory_space<vmem>>)
      tpu.yield
    }) : () -> ()
    %barrier3A = arith.constant 0 : index
    tpu.barrier barrier_id(%barrier3A)
    %scan3A = arith.constant 0 : i32
    %scan3A_3 = arith.constant 0 : i32
    %scan3A_4 = arith.constant 125 : i32
    %scan3A_5 = arith.addi %scan3A_3, %scan3A_4 : i32
    %scan3A_6 = arith.constant 1 : i32
    scf.for %scan3A_16 = %scan3A_3 to %scan3A_5 step %scan3A_6  : i32 {
      %dma_start3A = arith.constant 0 : i32
      %dma_start3A_17 = tpu.memref_slice %arg7[%scan3A_16, %dma_start3A] : memref<125x80xi32, #tpu.memory_space<vmem>> -> memref<1x80xi32, #tpu.memory_space<vmem>>
      %dma_start3A_18 = tpu.memref_squeeze %dma_start3A_17 : memref<1x80xi32, #tpu.memory_space<vmem>> -> memref<80xi32, #tpu.memory_space<vmem>>
      %dma_start3A_19 = arith.constant 0 : i32
      %dma_start3A_20 = arith.constant 0 : i32
      %dma_start3A_21 = tpu.memref_slice %arg2[%dma_start3A_19, %dma_start3A_20] : memref<10000x128xf32, #tpu.memory_space<hbm>> -> memref<10000x128xf32, #tpu.memory_space<hbm>>
      tpu.enqueue_indirect_dma source(%dma_start3A_21 : memref<10000x128xf32, #tpu.memory_space<hbm>>) target(%arg9 : memref<80x128xf32, #tpu.memory_space<vmem>>) offsets(%dma_start3A_18 : memref<80xi32, #tpu.memory_space<vmem>>) semaphore(%arg11 : memref<!tpu.dma_semaphore, #tpu.memory_space<semaphore_mem>>)
      %dma_wait3A = arith.constant 0 : i32
      %dma_wait3A_22 = tpu.memref_slice %arg7[%scan3A_16, %dma_wait3A] : memref<125x80xi32, #tpu.memory_space<vmem>> -> memref<1x80xi32, #tpu.memory_space<vmem>>
      %dma_wait3A_23 = tpu.memref_squeeze %dma_wait3A_22 : memref<1x80xi32, #tpu.memory_space<vmem>> -> memref<80xi32, #tpu.memory_space<vmem>>
      %dma_wait3A_24 = arith.constant 0 : i32
      %dma_wait3A_25 = arith.constant 0 : i32
      %dma_wait3A_26 = tpu.memref_slice %arg2[%dma_wait3A_24, %dma_wait3A_25] : memref<10000x128xf32, #tpu.memory_space<hbm>> -> memref<10000x128xf32, #tpu.memory_space<hbm>>
      tpu.wait_indirect_dma semaphore(%arg11 : memref<!tpu.dma_semaphore, #tpu.memory_space<semaphore_mem>>) src(%dma_wait3A_26 : memref<10000x128xf32, #tpu.memory_space<hbm>>) dst(%arg9 : memref<80x128xf32, #tpu.memory_space<vmem>>)
      "tpu.region"() ({
        %run_scoped3A = tpu.sem_alloc : memref<!tpu.dma_semaphore, #tpu.memory_space<semaphore_mem>>
        %dma_start3A_27 = arith.constant 0 : i32
        %dma_start3A_28 = tpu.memref_slice %arg8[%scan3A_16, %dma_start3A_27] : memref<125x80xi32, #tpu.memory_space<vmem>> -> memref<1x80xi32, #tpu.memory_space<vmem>>
        %dma_start3A_29 = tpu.memref_squeeze %dma_start3A_28 : memref<1x80xi32, #tpu.memory_space<vmem>> -> memref<80xi32, #tpu.memory_space<vmem>>
        %dma_start3A_30 = arith.constant 0 : i32
        %dma_start3A_31 = arith.constant 0 : i32
        %dma_start3A_32 = tpu.memref_slice %arg10[%dma_start3A_30, %dma_start3A_31] : memref<10112x128xf32, #tpu.memory_space<vmem_shared>> -> memref<10112x128xf32, #tpu.memory_space<vmem_shared>>
        tpu.enqueue_indirect_dma source(%arg9 : memref<80x128xf32, #tpu.memory_space<vmem>>) target(%dma_start3A_32 : memref<10112x128xf32, #tpu.memory_space<vmem_shared>>) offsets(%dma_start3A_29 : memref<80xi32, #tpu.memory_space<vmem>>) semaphore(%run_scoped3A : memref<!tpu.dma_semaphore, #tpu.memory_space<semaphore_mem>>) {add = true}
        %dma_wait3A_33 = arith.constant 0 : i32
        %dma_wait3A_34 = tpu.memref_slice %arg8[%scan3A_16, %dma_wait3A_33] : memref<125x80xi32, #tpu.memory_space<vmem>> -> memref<1x80xi32, #tpu.memory_space<vmem>>
        %dma_wait3A_35 = tpu.memref_squeeze %dma_wait3A_34 : memref<1x80xi32, #tpu.memory_space<vmem>> -> memref<80xi32, #tpu.memory_space<vmem>>
        %dma_wait3A_36 = arith.constant 0 : i32
        %dma_wait3A_37 = arith.constant 0 : i32
        %dma_wait3A_38 = tpu.memref_slice %arg10[%dma_wait3A_36, %dma_wait3A_37] : memref<10112x128xf32, #tpu.memory_space<vmem_shared>> -> memref<10112x128xf32, #tpu.memory_space<vmem_shared>>
        tpu.wait_indirect_dma semaphore(%run_scoped3A : memref<!tpu.dma_semaphore, #tpu.memory_space<semaphore_mem>>) src(%arg9 : memref<80x128xf32, #tpu.memory_space<vmem>>) dst(%dma_wait3A_38 : memref<10112x128xf32, #tpu.memory_space<vmem_shared>>)
        tpu.yield
      }) : () -> ()
    }
    %scan3A_7 = arith.constant 125 : i32
    %barrier3A_8 = arith.constant 0 : index
    tpu.barrier barrier_id(%barrier3A_8)
    %mul3A_9 = arith.constant 632 : i32
    %mul3A_10 = arith.muli %arg1, %mul3A_9 : i32
    %mul3A_11 = arith.constant 10112 : i32
    %mul3A_12 = arith.muli %arg0, %mul3A_11 : i32
    %mul3A_13 = arith.constant 632 : i32
    %mul3A_14 = arith.muli %arg1, %mul3A_13 : i32
    %add3A_15 = arith.addi %mul3A_12, %mul3A_14 : i32
    "tpu.region"() ({
      %run_scoped3A = tpu.sem_alloc : memref<!tpu.dma_semaphore, #tpu.memory_space<semaphore_mem>>
      %dma_start3A = arith.constant 0 : i32
      %dma_start3A_16 = tpu.memref_slice %arg6[%add3A_15, %dma_start3A] : memref<20224x128xf32, #tpu.memory_space<hbm>> -> memref<632x128xf32, #tpu.memory_space<hbm>>
      %dma_start3A_17 = arith.constant 0 : i32
      %dma_start3A_18 = tpu.memref_slice %arg10[%mul3A_10, %dma_start3A_17] : memref<10112x128xf32, #tpu.memory_space<vmem_shared>> -> memref<632x128xf32, #tpu.memory_space<vmem_shared>>
      tpu.enqueue_dma source(%dma_start3A_18 : memref<632x128xf32, #tpu.memory_space<vmem_shared>>) target(%dma_start3A_16 : memref<632x128xf32, #tpu.memory_space<hbm>>) target_semaphore(%run_scoped3A : memref<!tpu.dma_semaphore, #tpu.memory_space<semaphore_mem>>)
      %dma_wait3A = arith.constant 0 : i32
      %dma_wait3A_19 = tpu.memref_slice %arg6[%add3A_15, %dma_wait3A] : memref<20224x128xf32, #tpu.memory_space<hbm>> -> memref<632x128xf32, #tpu.memory_space<hbm>>
      %dma_wait3A_20 = arith.constant 0 : i32
      %dma_wait3A_21 = tpu.memref_slice %arg10[%mul3A_10, %dma_wait3A_20] : memref<10112x128xf32, #tpu.memory_space<vmem_shared>> -> memref<632x128xf32, #tpu.memory_space<vmem_shared>>
      tpu.wait_dma2 semaphore(%run_scoped3A : memref<!tpu.dma_semaphore, #tpu.memory_space<semaphore_mem>>) src(%dma_wait3A_21 : memref<632x128xf32, #tpu.memory_space<vmem_shared>>) dst(%dma_wait3A_19 : memref<632x128xf32, #tpu.memory_space<hbm>>)
      tpu.yield
    }) : () -> ()
    return
  }
}

#map = affine_map<(d0, d1) -> (0, 0)>
#map1 = affine_map<(d0, d1) -> (0, 0, 0)>
module attributes {stable_mosaic.version = 14 : i64} {
  func.func @edge_aggregate(%arg0: i32, %arg1: i32, %arg2: memref<10000x128xf32, #tpu.memory_space<hbm>>, %arg3: memref<32x125x80xi32, #tpu.memory_space<hbm>>, %arg4: memref<32x125x80xi32, #tpu.memory_space<hbm>>, %arg5: memref<632x128xf32, #tpu.memory_space<hbm>>, %arg6: memref<20224x128xf32, #tpu.memory_space<hbm>>, %arg7: memref<125x80xi32, #tpu.memory_space<vmem>>, %arg8: memref<125x80xi32, #tpu.memory_space<vmem>>, %arg9: memref<80x128xf32, #tpu.memory_space<vmem>>, %arg10: memref<10112x128xf32, #tpu.memory_space<vmem_shared>>, %arg11: memref<!tpu.dma_semaphore, #tpu.memory_space<semaphore_mem>>) attributes {dimension_semantics = [#tpu.dimension_semantics<core_parallel>, #tpu.dimension_semantics<subcore_parallel>], iteration_bounds = array<i64: 2, 16>, scalar_prefetch = 0 : i64, scratch_operands = 5 : i64, tpu.core_type = #tpu.core_type<sc_vector_subcore>, window_params = [{transform_indices = #map}, {transform_indices = #map1}, {transform_indices = #map1}, {transform_indices = #map}, {transform_indices = #map}]} {
    %mul3A = arith.constant 2 : i32
    %mul3A_0 = arith.muli %arg1, %mul3A : i32
    %add3A = arith.addi %mul3A_0, %arg0 : i32
    %mul3A_1 = arith.constant 632 : i32
    %mul3A_2 = arith.muli %arg1, %mul3A_1 : i32
    "tpu.region"() ({
      %run_scoped3A = tpu.sem_alloc : memref<!tpu.dma_semaphore, #tpu.memory_space<semaphore_mem>>
      %dma_start3A = arith.constant 0 : i32
      %dma_start3A_16 = tpu.memref_slice %arg10[%mul3A_2, %dma_start3A] : memref<10112x128xf32, #tpu.memory_space<vmem_shared>> -> memref<632x128xf32, #tpu.memory_space<vmem_shared>>
      tpu.enqueue_dma source(%arg5 : memref<632x128xf32, #tpu.memory_space<hbm>>) target(%dma_start3A_16 : memref<632x128xf32, #tpu.memory_space<vmem_shared>>) target_semaphore(%run_scoped3A : memref<!tpu.dma_semaphore, #tpu.memory_space<semaphore_mem>>)
      %dma_wait3A = arith.constant 0 : i32
      %dma_wait3A_17 = tpu.memref_slice %arg10[%mul3A_2, %dma_wait3A] : memref<10112x128xf32, #tpu.memory_space<vmem_shared>> -> memref<632x128xf32, #tpu.memory_space<vmem_shared>>
      tpu.wait_dma2 semaphore(%run_scoped3A : memref<!tpu.dma_semaphore, #tpu.memory_space<semaphore_mem>>) src(%arg5 : memref<632x128xf32, #tpu.memory_space<hbm>>) dst(%dma_wait3A_17 : memref<632x128xf32, #tpu.memory_space<vmem_shared>>)
      tpu.yield
    }) : () -> ()
    "tpu.region"() ({
      %run_scoped3A = tpu.sem_alloc : memref<!tpu.dma_semaphore, #tpu.memory_space<semaphore_mem>>
      %dma_start3A = arith.constant 0 : i32
      %dma_start3A_16 = arith.constant 0 : i32
      %dma_start3A_17 = tpu.memref_slice %arg3[%add3A, %dma_start3A, %dma_start3A_16] : memref<32x125x80xi32, #tpu.memory_space<hbm>> -> memref<1x125x80xi32, #tpu.memory_space<hbm>>
      %dma_start3A_18 = tpu.memref_squeeze %dma_start3A_17 : memref<1x125x80xi32, #tpu.memory_space<hbm>> -> memref<125x80xi32, #tpu.memory_space<hbm>>
      %dma_start3A_19 = arith.constant 0 : i32
      %dma_start3A_20 = arith.constant 0 : i32
      %dma_start3A_21 = tpu.memref_slice %arg3[%add3A, %dma_start3A_19, %dma_start3A_20] : memref<32x125x80xi32, #tpu.memory_space<hbm>> -> memref<1x125x80xi32, #tpu.memory_space<hbm>>
      %dma_start3A_22 = tpu.memref_squeeze %dma_start3A_21 : memref<1x125x80xi32, #tpu.memory_space<hbm>> -> memref<125x80xi32, #tpu.memory_space<hbm>>
      tpu.enqueue_dma source(%dma_start3A_22 : memref<125x80xi32, #tpu.memory_space<hbm>>) target(%arg7 : memref<125x80xi32, #tpu.memory_space<vmem>>) target_semaphore(%run_scoped3A : memref<!tpu.dma_semaphore, #tpu.memory_space<semaphore_mem>>)
      %dma_wait3A = arith.constant 0 : i32
      %dma_wait3A_23 = arith.constant 0 : i32
      %dma_wait3A_24 = tpu.memref_slice %arg3[%add3A, %dma_wait3A, %dma_wait3A_23] : memref<32x125x80xi32, #tpu.memory_space<hbm>> -> memref<1x125x80xi32, #tpu.memory_space<hbm>>
      %dma_wait3A_25 = tpu.memref_squeeze %dma_wait3A_24 : memref<1x125x80xi32, #tpu.memory_space<hbm>> -> memref<125x80xi32, #tpu.memory_space<hbm>>
      %dma_wait3A_26 = arith.constant 0 : i32
      %dma_wait3A_27 = arith.constant 0 : i32
      %dma_wait3A_28 = tpu.memref_slice %arg3[%add3A, %dma_wait3A_26, %dma_wait3A_27] : memref<32x125x80xi32, #tpu.memory_space<hbm>> -> memref<1x125x80xi32, #tpu.memory_space<hbm>>
      %dma_wait3A_29 = tpu.memref_squeeze %dma_wait3A_28 : memref<1x125x80xi32, #tpu.memory_space<hbm>> -> memref<125x80xi32, #tpu.memory_space<hbm>>
      tpu.wait_dma2 semaphore(%run_scoped3A : memref<!tpu.dma_semaphore, #tpu.memory_space<semaphore_mem>>) src(%dma_wait3A_29 : memref<125x80xi32, #tpu.memory_space<hbm>>) dst(%arg7 : memref<125x80xi32, #tpu.memory_space<vmem>>)
      tpu.yield
    }) : () -> ()
    "tpu.region"() ({
      %run_scoped3A = tpu.sem_alloc : memref<!tpu.dma_semaphore, #tpu.memory_space<semaphore_mem>>
      %dma_start3A = arith.constant 0 : i32
      %dma_start3A_16 = arith.constant 0 : i32
      %dma_start3A_17 = tpu.memref_slice %arg4[%add3A, %dma_start3A, %dma_start3A_16] : memref<32x125x80xi32, #tpu.memory_space<hbm>> -> memref<1x125x80xi32, #tpu.memory_space<hbm>>
      %dma_start3A_18 = tpu.memref_squeeze %dma_start3A_17 : memref<1x125x80xi32, #tpu.memory_space<hbm>> -> memref<125x80xi32, #tpu.memory_space<hbm>>
      %dma_start3A_19 = arith.constant 0 : i32
      %dma_start3A_20 = arith.constant 0 : i32
      %dma_start3A_21 = tpu.memref_slice %arg4[%add3A, %dma_start3A_19, %dma_start3A_20] : memref<32x125x80xi32, #tpu.memory_space<hbm>> -> memref<1x125x80xi32, #tpu.memory_space<hbm>>
      %dma_start3A_22 = tpu.memref_squeeze %dma_start3A_21 : memref<1x125x80xi32, #tpu.memory_space<hbm>> -> memref<125x80xi32, #tpu.memory_space<hbm>>
      tpu.enqueue_dma source(%dma_start3A_22 : memref<125x80xi32, #tpu.memory_space<hbm>>) target(%arg8 : memref<125x80xi32, #tpu.memory_space<vmem>>) target_semaphore(%run_scoped3A : memref<!tpu.dma_semaphore, #tpu.memory_space<semaphore_mem>>)
      %dma_wait3A = arith.constant 0 : i32
      %dma_wait3A_23 = arith.constant 0 : i32
      %dma_wait3A_24 = tpu.memref_slice %arg4[%add3A, %dma_wait3A, %dma_wait3A_23] : memref<32x125x80xi32, #tpu.memory_space<hbm>> -> memref<1x125x80xi32, #tpu.memory_space<hbm>>
      %dma_wait3A_25 = tpu.memref_squeeze %dma_wait3A_24 : memref<1x125x80xi32, #tpu.memory_space<hbm>> -> memref<125x80xi32, #tpu.memory_space<hbm>>
      %dma_wait3A_26 = arith.constant 0 : i32
      %dma_wait3A_27 = arith.constant 0 : i32
      %dma_wait3A_28 = tpu.memref_slice %arg4[%add3A, %dma_wait3A_26, %dma_wait3A_27] : memref<32x125x80xi32, #tpu.memory_space<hbm>> -> memref<1x125x80xi32, #tpu.memory_space<hbm>>
      %dma_wait3A_29 = tpu.memref_squeeze %dma_wait3A_28 : memref<1x125x80xi32, #tpu.memory_space<hbm>> -> memref<125x80xi32, #tpu.memory_space<hbm>>
      tpu.wait_dma2 semaphore(%run_scoped3A : memref<!tpu.dma_semaphore, #tpu.memory_space<semaphore_mem>>) src(%dma_wait3A_29 : memref<125x80xi32, #tpu.memory_space<hbm>>) dst(%arg8 : memref<125x80xi32, #tpu.memory_space<vmem>>)
      tpu.yield
    }) : () -> ()
    %barrier3A = arith.constant 0 : index
    tpu.barrier barrier_id(%barrier3A)
    %scan3A = arith.constant 0 : i32
    %scan3A_3 = arith.constant 0 : i32
    %scan3A_4 = arith.constant 125 : i32
    %scan3A_5 = arith.addi %scan3A_3, %scan3A_4 : i32
    %scan3A_6 = arith.constant 1 : i32
    scf.for %scan3A_16 = %scan3A_3 to %scan3A_5 step %scan3A_6  : i32 {
      %dma_start3A = arith.constant 0 : i32
      %dma_start3A_17 = tpu.memref_slice %arg7[%scan3A_16, %dma_start3A] : memref<125x80xi32, #tpu.memory_space<vmem>> -> memref<1x80xi32, #tpu.memory_space<vmem>>
      %dma_start3A_18 = tpu.memref_squeeze %dma_start3A_17 : memref<1x80xi32, #tpu.memory_space<vmem>> -> memref<80xi32, #tpu.memory_space<vmem>>
      %dma_start3A_19 = arith.constant 0 : i32
      %dma_start3A_20 = arith.constant 0 : i32
      %dma_start3A_21 = tpu.memref_slice %arg2[%dma_start3A_19, %dma_start3A_20] : memref<10000x128xf32, #tpu.memory_space<hbm>> -> memref<10000x128xf32, #tpu.memory_space<hbm>>
      tpu.enqueue_indirect_dma source(%dma_start3A_21 : memref<10000x128xf32, #tpu.memory_space<hbm>>) target(%arg9 : memref<80x128xf32, #tpu.memory_space<vmem>>) offsets(%dma_start3A_18 : memref<80xi32, #tpu.memory_space<vmem>>) semaphore(%arg11 : memref<!tpu.dma_semaphore, #tpu.memory_space<semaphore_mem>>)
      %dma_wait3A = arith.constant 0 : i32
      %dma_wait3A_22 = tpu.memref_slice %arg7[%scan3A_16, %dma_wait3A] : memref<125x80xi32, #tpu.memory_space<vmem>> -> memref<1x80xi32, #tpu.memory_space<vmem>>
      %dma_wait3A_23 = tpu.memref_squeeze %dma_wait3A_22 : memref<1x80xi32, #tpu.memory_space<vmem>> -> memref<80xi32, #tpu.memory_space<vmem>>
      %dma_wait3A_24 = arith.constant 0 : i32
      %dma_wait3A_25 = arith.constant 0 : i32
      %dma_wait3A_26 = tpu.memref_slice %arg2[%dma_wait3A_24, %dma_wait3A_25] : memref<10000x128xf32, #tpu.memory_space<hbm>> -> memref<10000x128xf32, #tpu.memory_space<hbm>>
      tpu.wait_indirect_dma semaphore(%arg11 : memref<!tpu.dma_semaphore, #tpu.memory_space<semaphore_mem>>) src(%dma_wait3A_26 : memref<10000x128xf32, #tpu.memory_space<hbm>>) dst(%arg9 : memref<80x128xf32, #tpu.memory_space<vmem>>)
      "tpu.region"() ({
        %run_scoped3A = tpu.sem_alloc : memref<!tpu.dma_semaphore, #tpu.memory_space<semaphore_mem>>
        %dma_start3A_27 = arith.constant 0 : i32
        %dma_start3A_28 = tpu.memref_slice %arg8[%scan3A_16, %dma_start3A_27] : memref<125x80xi32, #tpu.memory_space<vmem>> -> memref<1x80xi32, #tpu.memory_space<vmem>>
        %dma_start3A_29 = tpu.memref_squeeze %dma_start3A_28 : memref<1x80xi32, #tpu.memory_space<vmem>> -> memref<80xi32, #tpu.memory_space<vmem>>
        %dma_start3A_30 = arith.constant 0 : i32
        %dma_start3A_31 = arith.constant 0 : i32
        %dma_start3A_32 = tpu.memref_slice %arg10[%dma_start3A_30, %dma_start3A_31] : memref<10112x128xf32, #tpu.memory_space<vmem_shared>> -> memref<10112x128xf32, #tpu.memory_space<vmem_shared>>
        tpu.enqueue_indirect_dma source(%arg9 : memref<80x128xf32, #tpu.memory_space<vmem>>) target(%dma_start3A_32 : memref<10112x128xf32, #tpu.memory_space<vmem_shared>>) offsets(%dma_start3A_29 : memref<80xi32, #tpu.memory_space<vmem>>) semaphore(%run_scoped3A : memref<!tpu.dma_semaphore, #tpu.memory_space<semaphore_mem>>) {add = true}
        %dma_wait3A_33 = arith.constant 0 : i32
        %dma_wait3A_34 = tpu.memref_slice %arg8[%scan3A_16, %dma_wait3A_33] : memref<125x80xi32, #tpu.memory_space<vmem>> -> memref<1x80xi32, #tpu.memory_space<vmem>>
        %dma_wait3A_35 = tpu.memref_squeeze %dma_wait3A_34 : memref<1x80xi32, #tpu.memory_space<vmem>> -> memref<80xi32, #tpu.memory_space<vmem>>
        %dma_wait3A_36 = arith.constant 0 : i32
        %dma_wait3A_37 = arith.constant 0 : i32
        %dma_wait3A_38 = tpu.memref_slice %arg10[%dma_wait3A_36, %dma_wait3A_37] : memref<10112x128xf32, #tpu.memory_space<vmem_shared>> -> memref<10112x128xf32, #tpu.memory_space<vmem_shared>>
        tpu.wait_indirect_dma semaphore(%run_scoped3A : memref<!tpu.dma_semaphore, #tpu.memory_space<semaphore_mem>>) src(%arg9 : memref<80x128xf32, #tpu.memory_space<vmem>>) dst(%dma_wait3A_38 : memref<10112x128xf32, #tpu.memory_space<vmem_shared>>)
        tpu.yield
      }) : () -> ()
    }
    %scan3A_7 = arith.constant 125 : i32
    %barrier3A_8 = arith.constant 0 : index
    tpu.barrier barrier_id(%barrier3A_8)
    %mul3A_9 = arith.constant 632 : i32
    %mul3A_10 = arith.muli %arg1, %mul3A_9 : i32
    %mul3A_11 = arith.constant 10112 : i32
    %mul3A_12 = arith.muli %arg0, %mul3A_11 : i32
    %mul3A_13 = arith.constant 632 : i32
    %mul3A_14 = arith.muli %arg1, %mul3A_13 : i32
    %add3A_15 = arith.addi %mul3A_12, %mul3A_14 : i32
    "tpu.region"() ({
      %run_scoped3A = tpu.sem_alloc : memref<!tpu.dma_semaphore, #tpu.memory_space<semaphore_mem>>
      %dma_start3A = arith.constant 0 : i32
      %dma_start3A_16 = tpu.memref_slice %arg6[%add3A_15, %dma_start3A] : memref<20224x128xf32, #tpu.memory_space<hbm>> -> memref<632x128xf32, #tpu.memory_space<hbm>>
      %dma_start3A_17 = arith.constant 0 : i32
      %dma_start3A_18 = tpu.memref_slice %arg10[%mul3A_10, %dma_start3A_17] : memref<10112x128xf32, #tpu.memory_space<vmem_shared>> -> memref<632x128xf32, #tpu.memory_space<vmem_shared>>
      tpu.enqueue_dma source(%dma_start3A_18 : memref<632x128xf32, #tpu.memory_space<vmem_shared>>) target(%dma_start3A_16 : memref<632x128xf32, #tpu.memory_space<hbm>>) target_semaphore(%run_scoped3A : memref<!tpu.dma_semaphore, #tpu.memory_space<semaphore_mem>>)
      %dma_wait3A = arith.constant 0 : i32
      %dma_wait3A_19 = tpu.memref_slice %arg6[%add3A_15, %dma_wait3A] : memref<20224x128xf32, #tpu.memory_space<hbm>> -> memref<632x128xf32, #tpu.memory_space<hbm>>
      %dma_wait3A_20 = arith.constant 0 : i32
      %dma_wait3A_21 = tpu.memref_slice %arg10[%mul3A_10, %dma_wait3A_20] : memref<10112x128xf32, #tpu.memory_space<vmem_shared>> -> memref<632x128xf32, #tpu.memory_space<vmem_shared>>
      tpu.wait_dma2 semaphore(%run_scoped3A : memref<!tpu.dma_semaphore, #tpu.memory_space<semaphore_mem>>) src(%dma_wait3A_21 : memref<632x128xf32, #tpu.memory_space<vmem_shared>>) dst(%dma_wait3A_19 : memref<632x128xf32, #tpu.memory_space<hbm>>)
      tpu.yield
    }) : () -> ()
    return
  }
}

module attributes {stable_mosaic.version = 14 : i64} {
  func.func @_proj_body(%arg0: i32, %arg1: memref<400x128xf32, #tpu.memory_space<vmem>>, %arg2: memref<128x128xf32, #tpu.memory_space<vmem>>, %arg3: memref<1x128xf32, #tpu.memory_space<vmem>>, %arg4: memref<400x128xf32, #tpu.memory_space<vmem>>, %arg5: memref<400x128xf32, #tpu.memory_space<vmem>>) attributes {dimension_semantics = [#tpu.dimension_semantics<arbitrary>], iteration_bounds = array<i64: 25>, scalar_prefetch = 0 : i64, scratch_operands = 0 : i64, tpu.core_type = #tpu.core_type<tc>, window_params = [{transform_indices = @transform_0, window_bounds = array<i64: 400, 128>}, {pipeline_mode = #tpu.pipeline_mode<synchronous>, transform_indices = @transform_1, window_bounds = array<i64: 128, 128>}, {pipeline_mode = #tpu.pipeline_mode<synchronous>, transform_indices = @transform_2, window_bounds = array<i64: 1, 128>}, {transform_indices = @transform_3, window_bounds = array<i64: 400, 128>}, {transform_indices = @transform_4, window_bounds = array<i64: 400, 128>}]} {
    %get3A = arith.constant 0 : index
    %get3A_0 = arith.constant 0 : index
    %get3A_1 = vector.load %arg1[%get3A, %get3A_0] : memref<400x128xf32, #tpu.memory_space<vmem>>, vector<400x128xf32>
    %get3A_2 = arith.constant 0 : index
    %get3A_3 = arith.constant 0 : index
    %get3A_4 = vector.load %arg2[%get3A_2, %get3A_3] : memref<128x128xf32, #tpu.memory_space<vmem>>, vector<128x128xf32>
    %dot_general3A = arith.constant dense<0.000000e+00> : vector<400x128xf32>
    %dot_general3A_5 = tpu.matmul %get3A_1, %get3A_4, %dot_general3A {dimension_numbers = #tpu.dot_dimension_numbers<[1], [0], [0], [1], [0, 0, 1, 1], [], []>, transpose_lhs_hint = false} : vector<400x128xf32>, vector<128x128xf32>, vector<400x128xf32> -> vector<400x128xf32>
    %get3A_6 = arith.constant 0 : index
    %get3A_7 = arith.constant 0 : index
    %get3A_8 = vector.load %arg3[%get3A_6, %get3A_7] : memref<1x128xf32, #tpu.memory_space<vmem>>, vector<1x128xf32>
    %add3A = vector.broadcast %get3A_8 : vector<1x128xf32> to vector<400x128xf32>
    %add3A_9 = arith.addf %dot_general3A_5, %add3A : vector<400x128xf32>
    %neg3A = arith.constant 0.000000e+00 : f32
    %neg3A_10 = vector.broadcast %neg3A : f32 to vector<400x128xf32>
    %neg3A_11 = arith.subf %neg3A_10, %add3A_9 : vector<400x128xf32>
    %exp3A = math.exp %neg3A_11 : vector<400x128xf32>
    %add3A_12 = arith.constant 1.000000e+00 : f32
    %add3A_13 = vector.broadcast %add3A_12 : f32 to vector<400x128xf32>
    %add3A_14 = arith.addf %add3A_13, %exp3A : vector<400x128xf32>
    %div3A = arith.constant 1.000000e+00 : f32
    %div3A_15 = vector.broadcast %div3A : f32 to vector<400x128xf32>
    %div3A_16 = arith.divf %div3A_15, %add3A_14 : vector<400x128xf32>
    %mul3A = arith.mulf %add3A_9, %div3A_16 : vector<400x128xf32>
    %swap3A = arith.constant 0 : index
    %swap3A_17 = arith.constant 0 : index
    %swap3A_18 = vector.load %arg4[%swap3A, %swap3A_17] : memref<400x128xf32, #tpu.memory_space<vmem>>, vector<400x128xf32>
    tpu.vector_store %arg4[%swap3A, %swap3A_17], %mul3A {strides = array<i32>} : memref<400x128xf32, #tpu.memory_space<vmem>>, vector<400x128xf32>,
    %max3A = arith.constant 0.000000e+00 : f32
    %max3A_19 = vector.broadcast %max3A : f32 to vector<400x128xf32>
    %max3A_20 = arith.maximumf %mul3A, %max3A_19 : vector<400x128xf32>
    %swap3A_21 = arith.constant 0 : index
    %swap3A_22 = arith.constant 0 : index
    %swap3A_23 = vector.load %arg5[%swap3A_21, %swap3A_22] : memref<400x128xf32, #tpu.memory_space<vmem>>, vector<400x128xf32>
    tpu.vector_store %arg5[%swap3A_21, %swap3A_22], %max3A_20 {strides = array<i32>} : memref<400x128xf32, #tpu.memory_space<vmem>>, vector<400x128xf32>,
    return
  }
  func.func @transform_0(%arg0: i32) -> (i32, i32) {
    %c0_i32 = arith.constant 0 : i32
    %c0_i32_0 = arith.constant 0 : i32
    return %arg0, %c0_i32 : i32, i32
  }
  func.func @transform_1(%arg0: i32) -> (i32, i32) {
    %c0_i32 = arith.constant 0 : i32
    %c0_i32_0 = arith.constant 0 : i32
    %c0_i32_1 = arith.constant 0 : i32
    return %c0_i32, %c0_i32_0 : i32, i32
  }
  func.func @transform_2(%arg0: i32) -> (i32, i32) {
    %c0_i32 = arith.constant 0 : i32
    %c0_i32_0 = arith.constant 0 : i32
    %c0_i32_1 = arith.constant 0 : i32
    return %c0_i32, %c0_i32_0 : i32, i32
  }
  func.func @transform_3(%arg0: i32) -> (i32, i32) {
    %c0_i32 = arith.constant 0 : i32
    %c0_i32_0 = arith.constant 0 : i32
    return %arg0, %c0_i32 : i32, i32
  }
  func.func @transform_4(%arg0: i32) -> (i32, i32) {
    %c0_i32 = arith.constant 0 : i32
    %c0_i32_0 = arith.constant 0 : i32
    return %arg0, %c0_i32 : i32, i32
  }
}

module attributes {stable_mosaic.version = 14 : i64} {
  func.func @_layer_body(%arg0: i32, %arg1: memref<400x128xf32, #tpu.memory_space<vmem>>, %arg2: memref<2x400x128xf32, #tpu.memory_space<vmem>>, %arg3: memref<128x128xf32, #tpu.memory_space<vmem>>, %arg4: memref<1x128xf32, #tpu.memory_space<vmem>>, %arg5: memref<1x128xf32, #tpu.memory_space<vmem>>, %arg6: memref<1x128xf32, #tpu.memory_space<vmem>>, %arg7: memref<400x128xf32, #tpu.memory_space<vmem>>, %arg8: memref<400x128xf32, #tpu.memory_space<vmem>>) attributes {dimension_semantics = [#tpu.dimension_semantics<arbitrary>], iteration_bounds = array<i64: 25>, scalar_prefetch = 0 : i64, scratch_operands = 0 : i64, tpu.core_type = #tpu.core_type<tc>, window_params = [{transform_indices = @transform_0, window_bounds = array<i64: 400, 128>}, {transform_indices = @transform_1, window_bounds = array<i64: 2, 400, 128>}, {pipeline_mode = #tpu.pipeline_mode<synchronous>, transform_indices = @transform_2, window_bounds = array<i64: 128, 128>}, {pipeline_mode = #tpu.pipeline_mode<synchronous>, transform_indices = @transform_3, window_bounds = array<i64: 1, 128>}, {pipeline_mode = #tpu.pipeline_mode<synchronous>, transform_indices = @transform_4, window_bounds = array<i64: 1, 128>}, {pipeline_mode = #tpu.pipeline_mode<synchronous>, transform_indices = @transform_5, window_bounds = array<i64: 1, 128>}, {transform_indices = @transform_6, window_bounds = array<i64: 400, 128>}, {transform_indices = @transform_7, window_bounds = array<i64: 400, 128>}]} {
    %get3A = arith.constant 0 : index
    %get3A_0 = arith.constant 0 : index
    %get3A_1 = vector.load %arg1[%get3A, %get3A_0] : memref<400x128xf32, #tpu.memory_space<vmem>>, vector<400x128xf32>
    %get3A_2 = arith.constant 0 : index
    %get3A_3 = arith.constant 0 : index
    %get3A_4 = arith.constant 0 : index
    %get3A_5 = vector.load %arg2[%get3A_2, %get3A_3, %get3A_4] : memref<2x400x128xf32, #tpu.memory_space<vmem>>, vector<1x400x128xf32>
    %get3A_6 = vector.shape_cast %get3A_5 : vector<1x400x128xf32> to vector<400x128xf32>
    %add3A = arith.addf %get3A_1, %get3A_6 : vector<400x128xf32>
    %get3A_7 = arith.constant 1 : index
    %get3A_8 = arith.constant 0 : index
    %get3A_9 = arith.constant 0 : index
    %get3A_10 = vector.load %arg2[%get3A_7, %get3A_8, %get3A_9] : memref<2x400x128xf32, #tpu.memory_space<vmem>>, vector<1x400x128xf32>
    %get3A_11 = vector.shape_cast %get3A_10 : vector<1x400x128xf32> to vector<400x128xf32>
    %add3A_12 = arith.addf %add3A, %get3A_11 : vector<400x128xf32>
    %get3A_13 = arith.constant 0 : index
    %get3A_14 = arith.constant 0 : index
    %get3A_15 = vector.load %arg3[%get3A_13, %get3A_14] : memref<128x128xf32, #tpu.memory_space<vmem>>, vector<128x128xf32>
    %dot_general3A = arith.constant dense<0.000000e+00> : vector<400x128xf32>
    %dot_general3A_16 = tpu.matmul %add3A_12, %get3A_15, %dot_general3A {dimension_numbers = #tpu.dot_dimension_numbers<[1], [0], [0], [1], [0, 0, 1, 1], [], []>, transpose_lhs_hint = false} : vector<400x128xf32>, vector<128x128xf32>, vector<400x128xf32> -> vector<400x128xf32>
    %get3A_17 = arith.constant 0 : index
    %get3A_18 = arith.constant 0 : index
    %get3A_19 = vector.load %arg4[%get3A_17, %get3A_18] : memref<1x128xf32, #tpu.memory_space<vmem>>, vector<1x128xf32>
    %add3A_20 = vector.broadcast %get3A_19 : vector<1x128xf32> to vector<400x128xf32>
    %add3A_21 = arith.addf %dot_general3A_16, %add3A_20 : vector<400x128xf32>
    %reduce_sum3A = arith.constant dense<0.000000e+00> : vector<400xf32>
    %reduce_sum3A_22 = vector.multi_reduction <add>, %add3A_21, %reduce_sum3A [1] : vector<400x128xf32> to vector<400xf32>
    %broadcast_in_dim3A = vector.shape_cast %reduce_sum3A_22 : vector<400xf32> to vector<400x1xf32>
    %div3A = arith.constant 1.280000e+02 : f32
    %div3A_23 = vector.broadcast %div3A : f32 to vector<400x1xf32>
    %div3A_24 = arith.divf %broadcast_in_dim3A, %div3A_23 : vector<400x1xf32>
    %sub3A = vector.broadcast %div3A_24 : vector<400x1xf32> to vector<400x128xf32>
    %sub3A_25 = arith.subf %add3A_21, %sub3A : vector<400x128xf32>
    %mul3A = arith.mulf %sub3A_25, %sub3A_25 : vector<400x128xf32>
    %reduce_sum3A_26 = arith.constant dense<0.000000e+00> : vector<400xf32>
    %reduce_sum3A_27 = vector.multi_reduction <add>, %mul3A, %reduce_sum3A_26 [1] : vector<400x128xf32> to vector<400xf32>
    %broadcast_in_dim3A_28 = vector.shape_cast %reduce_sum3A_27 : vector<400xf32> to vector<400x1xf32>
    %div3A_29 = arith.constant 1.280000e+02 : f32
    %div3A_30 = vector.broadcast %div3A_29 : f32 to vector<400x1xf32>
    %div3A_31 = arith.divf %broadcast_in_dim3A_28, %div3A_30 : vector<400x1xf32>
    %add3A_32 = arith.constant 9.99999974E-6 : f32
    %add3A_33 = vector.broadcast %add3A_32 : f32 to vector<400x1xf32>
    %add3A_34 = arith.addf %div3A_31, %add3A_33 : vector<400x1xf32>
    %rsqrt3A = math.rsqrt %add3A_34 : vector<400x1xf32>
    %mul3A_35 = vector.broadcast %rsqrt3A : vector<400x1xf32> to vector<400x128xf32>
    %mul3A_36 = arith.mulf %sub3A_25, %mul3A_35 : vector<400x128xf32>
    %get3A_37 = arith.constant 0 : index
    %get3A_38 = arith.constant 0 : index
    %get3A_39 = vector.load %arg5[%get3A_37, %get3A_38] : memref<1x128xf32, #tpu.memory_space<vmem>>, vector<1x128xf32>
    %mul3A_40 = vector.broadcast %get3A_39 : vector<1x128xf32> to vector<400x128xf32>
    %mul3A_41 = arith.mulf %mul3A_36, %mul3A_40 : vector<400x128xf32>
    %get3A_42 = arith.constant 0 : index
    %get3A_43 = arith.constant 0 : index
    %get3A_44 = vector.load %arg6[%get3A_42, %get3A_43] : memref<1x128xf32, #tpu.memory_space<vmem>>, vector<1x128xf32>
    %add3A_45 = vector.broadcast %get3A_44 : vector<1x128xf32> to vector<400x128xf32>
    %add3A_46 = arith.addf %mul3A_41, %add3A_45 : vector<400x128xf32>
    %neg3A = arith.constant 0.000000e+00 : f32
    %neg3A_47 = vector.broadcast %neg3A : f32 to vector<400x128xf32>
    %neg3A_48 = arith.subf %neg3A_47, %add3A_46 : vector<400x128xf32>
    %exp3A = math.exp %neg3A_48 : vector<400x128xf32>
    %add3A_49 = arith.constant 1.000000e+00 : f32
    %add3A_50 = vector.broadcast %add3A_49 : f32 to vector<400x128xf32>
    %add3A_51 = arith.addf %add3A_50, %exp3A : vector<400x128xf32>
    %div3A_52 = arith.constant 1.000000e+00 : f32
    %div3A_53 = vector.broadcast %div3A_52 : f32 to vector<400x128xf32>
    %div3A_54 = arith.divf %div3A_53, %add3A_51 : vector<400x128xf32>
    %mul3A_55 = arith.mulf %add3A_46, %div3A_54 : vector<400x128xf32>
    %add3A_56 = arith.addf %mul3A_55, %get3A_1 : vector<400x128xf32>
    %swap3A = arith.constant 0 : index
    %swap3A_57 = arith.constant 0 : index
    %swap3A_58 = vector.load %arg7[%swap3A, %swap3A_57] : memref<400x128xf32, #tpu.memory_space<vmem>>, vector<400x128xf32>
    tpu.vector_store %arg7[%swap3A, %swap3A_57], %add3A_56 {strides = array<i32>} : memref<400x128xf32, #tpu.memory_space<vmem>>, vector<400x128xf32>,
    %max3A = arith.constant 0.000000e+00 : f32
    %max3A_59 = vector.broadcast %max3A : f32 to vector<400x128xf32>
    %max3A_60 = arith.maximumf %add3A_56, %max3A_59 : vector<400x128xf32>
    %swap3A_61 = arith.constant 0 : index
    %swap3A_62 = arith.constant 0 : index
    %swap3A_63 = vector.load %arg8[%swap3A_61, %swap3A_62] : memref<400x128xf32, #tpu.memory_space<vmem>>, vector<400x128xf32>
    tpu.vector_store %arg8[%swap3A_61, %swap3A_62], %max3A_60 {strides = array<i32>} : memref<400x128xf32, #tpu.memory_space<vmem>>, vector<400x128xf32>,
    return
  }
  func.func @transform_0(%arg0: i32) -> (i32, i32) {
    %c0_i32 = arith.constant 0 : i32
    %c0_i32_0 = arith.constant 0 : i32
    return %arg0, %c0_i32 : i32, i32
  }
  func.func @transform_1(%arg0: i32) -> (i32, i32, i32) {
    %c0_i32 = arith.constant 0 : i32
    %c0_i32_0 = arith.constant 0 : i32
    %c0_i32_1 = arith.constant 0 : i32
    return %c0_i32, %arg0, %c0_i32_0 : i32, i32, i32
  }
  func.func @transform_2(%arg0: i32) -> (i32, i32) {
    %c0_i32 = arith.constant 0 : i32
    %c0_i32_0 = arith.constant 0 : i32
    %c0_i32_1 = arith.constant 0 : i32
    return %c0_i32, %c0_i32_0 : i32, i32
  }
  func.func @transform_3(%arg0: i32) -> (i32, i32) {
    %c0_i32 = arith.constant 0 : i32
    %c0_i32_0 = arith.constant 0 : i32
    %c0_i32_1 = arith.constant 0 : i32
    return %c0_i32, %c0_i32_0 : i32, i32
  }
  func.func @transform_4(%arg0: i32) -> (i32, i32) {
    %c0_i32 = arith.constant 0 : i32
    %c0_i32_0 = arith.constant 0 : i32
    %c0_i32_1 = arith.constant 0 : i32
    return %c0_i32, %c0_i32_0 : i32, i32
  }
  func.func @transform_5(%arg0: i32) -> (i32, i32) {
    %c0_i32 = arith.constant 0 : i32
    %c0_i32_0 = arith.constant 0 : i32
    %c0_i32_1 = arith.constant 0 : i32
    return %c0_i32, %c0_i32_0 : i32, i32
  }
  func.func @transform_6(%arg0: i32) -> (i32, i32) {
    %c0_i32 = arith.constant 0 : i32
    %c0_i32_0 = arith.constant 0 : i32
    return %arg0, %c0_i32 : i32, i32
  }
  func.func @transform_7(%arg0: i32) -> (i32, i32) {
    %c0_i32 = arith.constant 0 : i32
    %c0_i32_0 = arith.constant 0 : i32
    return %arg0, %c0_i32 : i32, i32
  }
}

module attributes {stable_mosaic.version = 14 : i64} {
  func.func @_layer_body(%arg0: i32, %arg1: memref<400x128xf32, #tpu.memory_space<vmem>>, %arg2: memref<2x400x128xf32, #tpu.memory_space<vmem>>, %arg3: memref<128x128xf32, #tpu.memory_space<vmem>>, %arg4: memref<1x128xf32, #tpu.memory_space<vmem>>, %arg5: memref<1x128xf32, #tpu.memory_space<vmem>>, %arg6: memref<1x128xf32, #tpu.memory_space<vmem>>, %arg7: memref<400x128xf32, #tpu.memory_space<vmem>>, %arg8: memref<400x128xf32, #tpu.memory_space<vmem>>) attributes {dimension_semantics = [#tpu.dimension_semantics<arbitrary>], iteration_bounds = array<i64: 25>, scalar_prefetch = 0 : i64, scratch_operands = 0 : i64, tpu.core_type = #tpu.core_type<tc>, window_params = [{transform_indices = @transform_0, window_bounds = array<i64: 400, 128>}, {transform_indices = @transform_1, window_bounds = array<i64: 2, 400, 128>}, {pipeline_mode = #tpu.pipeline_mode<synchronous>, transform_indices = @transform_2, window_bounds = array<i64: 128, 128>}, {pipeline_mode = #tpu.pipeline_mode<synchronous>, transform_indices = @transform_3, window_bounds = array<i64: 1, 128>}, {pipeline_mode = #tpu.pipeline_mode<synchronous>, transform_indices = @transform_4, window_bounds = array<i64: 1, 128>}, {pipeline_mode = #tpu.pipeline_mode<synchronous>, transform_indices = @transform_5, window_bounds = array<i64: 1, 128>}, {transform_indices = @transform_6, window_bounds = array<i64: 400, 128>}, {transform_indices = @transform_7, window_bounds = array<i64: 400, 128>}]} {
    %get3A = arith.constant 0 : index
    %get3A_0 = arith.constant 0 : index
    %get3A_1 = vector.load %arg1[%get3A, %get3A_0] : memref<400x128xf32, #tpu.memory_space<vmem>>, vector<400x128xf32>
    %get3A_2 = arith.constant 0 : index
    %get3A_3 = arith.constant 0 : index
    %get3A_4 = arith.constant 0 : index
    %get3A_5 = vector.load %arg2[%get3A_2, %get3A_3, %get3A_4] : memref<2x400x128xf32, #tpu.memory_space<vmem>>, vector<1x400x128xf32>
    %get3A_6 = vector.shape_cast %get3A_5 : vector<1x400x128xf32> to vector<400x128xf32>
    %add3A = arith.addf %get3A_1, %get3A_6 : vector<400x128xf32>
    %get3A_7 = arith.constant 1 : index
    %get3A_8 = arith.constant 0 : index
    %get3A_9 = arith.constant 0 : index
    %get3A_10 = vector.load %arg2[%get3A_7, %get3A_8, %get3A_9] : memref<2x400x128xf32, #tpu.memory_space<vmem>>, vector<1x400x128xf32>
    %get3A_11 = vector.shape_cast %get3A_10 : vector<1x400x128xf32> to vector<400x128xf32>
    %add3A_12 = arith.addf %add3A, %get3A_11 : vector<400x128xf32>
    %get3A_13 = arith.constant 0 : index
    %get3A_14 = arith.constant 0 : index
    %get3A_15 = vector.load %arg3[%get3A_13, %get3A_14] : memref<128x128xf32, #tpu.memory_space<vmem>>, vector<128x128xf32>
    %dot_general3A = arith.constant dense<0.000000e+00> : vector<400x128xf32>
    %dot_general3A_16 = tpu.matmul %add3A_12, %get3A_15, %dot_general3A {dimension_numbers = #tpu.dot_dimension_numbers<[1], [0], [0], [1], [0, 0, 1, 1], [], []>, transpose_lhs_hint = false} : vector<400x128xf32>, vector<128x128xf32>, vector<400x128xf32> -> vector<400x128xf32>
    %get3A_17 = arith.constant 0 : index
    %get3A_18 = arith.constant 0 : index
    %get3A_19 = vector.load %arg4[%get3A_17, %get3A_18] : memref<1x128xf32, #tpu.memory_space<vmem>>, vector<1x128xf32>
    %add3A_20 = vector.broadcast %get3A_19 : vector<1x128xf32> to vector<400x128xf32>
    %add3A_21 = arith.addf %dot_general3A_16, %add3A_20 : vector<400x128xf32>
    %reduce_sum3A = arith.constant dense<0.000000e+00> : vector<400xf32>
    %reduce_sum3A_22 = vector.multi_reduction <add>, %add3A_21, %reduce_sum3A [1] : vector<400x128xf32> to vector<400xf32>
    %broadcast_in_dim3A = vector.shape_cast %reduce_sum3A_22 : vector<400xf32> to vector<400x1xf32>
    %div3A = arith.constant 1.280000e+02 : f32
    %div3A_23 = vector.broadcast %div3A : f32 to vector<400x1xf32>
    %div3A_24 = arith.divf %broadcast_in_dim3A, %div3A_23 : vector<400x1xf32>
    %sub3A = vector.broadcast %div3A_24 : vector<400x1xf32> to vector<400x128xf32>
    %sub3A_25 = arith.subf %add3A_21, %sub3A : vector<400x128xf32>
    %mul3A = arith.mulf %sub3A_25, %sub3A_25 : vector<400x128xf32>
    %reduce_sum3A_26 = arith.constant dense<0.000000e+00> : vector<400xf32>
    %reduce_sum3A_27 = vector.multi_reduction <add>, %mul3A, %reduce_sum3A_26 [1] : vector<400x128xf32> to vector<400xf32>
    %broadcast_in_dim3A_28 = vector.shape_cast %reduce_sum3A_27 : vector<400xf32> to vector<400x1xf32>
    %div3A_29 = arith.constant 1.280000e+02 : f32
    %div3A_30 = vector.broadcast %div3A_29 : f32 to vector<400x1xf32>
    %div3A_31 = arith.divf %broadcast_in_dim3A_28, %div3A_30 : vector<400x1xf32>
    %add3A_32 = arith.constant 9.99999974E-6 : f32
    %add3A_33 = vector.broadcast %add3A_32 : f32 to vector<400x1xf32>
    %add3A_34 = arith.addf %div3A_31, %add3A_33 : vector<400x1xf32>
    %rsqrt3A = math.rsqrt %add3A_34 : vector<400x1xf32>
    %mul3A_35 = vector.broadcast %rsqrt3A : vector<400x1xf32> to vector<400x128xf32>
    %mul3A_36 = arith.mulf %sub3A_25, %mul3A_35 : vector<400x128xf32>
    %get3A_37 = arith.constant 0 : index
    %get3A_38 = arith.constant 0 : index
    %get3A_39 = vector.load %arg5[%get3A_37, %get3A_38] : memref<1x128xf32, #tpu.memory_space<vmem>>, vector<1x128xf32>
    %mul3A_40 = vector.broadcast %get3A_39 : vector<1x128xf32> to vector<400x128xf32>
    %mul3A_41 = arith.mulf %mul3A_36, %mul3A_40 : vector<400x128xf32>
    %get3A_42 = arith.constant 0 : index
    %get3A_43 = arith.constant 0 : index
    %get3A_44 = vector.load %arg6[%get3A_42, %get3A_43] : memref<1x128xf32, #tpu.memory_space<vmem>>, vector<1x128xf32>
    %add3A_45 = vector.broadcast %get3A_44 : vector<1x128xf32> to vector<400x128xf32>
    %add3A_46 = arith.addf %mul3A_41, %add3A_45 : vector<400x128xf32>
    %neg3A = arith.constant 0.000000e+00 : f32
    %neg3A_47 = vector.broadcast %neg3A : f32 to vector<400x128xf32>
    %neg3A_48 = arith.subf %neg3A_47, %add3A_46 : vector<400x128xf32>
    %exp3A = math.exp %neg3A_48 : vector<400x128xf32>
    %add3A_49 = arith.constant 1.000000e+00 : f32
    %add3A_50 = vector.broadcast %add3A_49 : f32 to vector<400x128xf32>
    %add3A_51 = arith.addf %add3A_50, %exp3A : vector<400x128xf32>
    %div3A_52 = arith.constant 1.000000e+00 : f32
    %div3A_53 = vector.broadcast %div3A_52 : f32 to vector<400x128xf32>
    %div3A_54 = arith.divf %div3A_53, %add3A_51 : vector<400x128xf32>
    %mul3A_55 = arith.mulf %add3A_46, %div3A_54 : vector<400x128xf32>
    %add3A_56 = arith.addf %mul3A_55, %get3A_1 : vector<400x128xf32>
    %swap3A = arith.constant 0 : index
    %swap3A_57 = arith.constant 0 : index
    %swap3A_58 = vector.load %arg7[%swap3A, %swap3A_57] : memref<400x128xf32, #tpu.memory_space<vmem>>, vector<400x128xf32>
    tpu.vector_store %arg7[%swap3A, %swap3A_57], %add3A_56 {strides = array<i32>} : memref<400x128xf32, #tpu.memory_space<vmem>>, vector<400x128xf32>,
    %max3A = arith.constant 0.000000e+00 : f32
    %max3A_59 = vector.broadcast %max3A : f32 to vector<400x128xf32>
    %max3A_60 = arith.maximumf %add3A_56, %max3A_59 : vector<400x128xf32>
    %swap3A_61 = arith.constant 0 : index
    %swap3A_62 = arith.constant 0 : index
    %swap3A_63 = vector.load %arg8[%swap3A_61, %swap3A_62] : memref<400x128xf32, #tpu.memory_space<vmem>>, vector<400x128xf32>
    tpu.vector_store %arg8[%swap3A_61, %swap3A_62], %max3A_60 {strides = array<i32>} : memref<400x128xf32, #tpu.memory_space<vmem>>, vector<400x128xf32>,
    return
  }
  func.func @transform_0(%arg0: i32) -> (i32, i32) {
    %c0_i32 = arith.constant 0 : i32
    %c0_i32_0 = arith.constant 0 : i32
    return %arg0, %c0_i32 : i32, i32
  }
  func.func @transform_1(%arg0: i32) -> (i32, i32, i32) {
    %c0_i32 = arith.constant 0 : i32
    %c0_i32_0 = arith.constant 0 : i32
    %c0_i32_1 = arith.constant 0 : i32
    return %c0_i32, %arg0, %c0_i32_0 : i32, i32, i32
  }
  func.func @transform_2(%arg0: i32) -> (i32, i32) {
    %c0_i32 = arith.constant 0 : i32
    %c0_i32_0 = arith.constant 0 : i32
    %c0_i32_1 = arith.constant 0 : i32
    return %c0_i32, %c0_i32_0 : i32, i32
  }
  func.func @transform_3(%arg0: i32) -> (i32, i32) {
    %c0_i32 = arith.constant 0 : i32
    %c0_i32_0 = arith.constant 0 : i32
    %c0_i32_1 = arith.constant 0 : i32
    return %c0_i32, %c0_i32_0 : i32, i32
  }
  func.func @transform_4(%arg0: i32) -> (i32, i32) {
    %c0_i32 = arith.constant 0 : i32
    %c0_i32_0 = arith.constant 0 : i32
    %c0_i32_1 = arith.constant 0 : i32
    return %c0_i32, %c0_i32_0 : i32, i32
  }
  func.func @transform_5(%arg0: i32) -> (i32, i32) {
    %c0_i32 = arith.constant 0 : i32
    %c0_i32_0 = arith.constant 0 : i32
    %c0_i32_1 = arith.constant 0 : i32
    return %c0_i32, %c0_i32_0 : i32, i32
  }
  func.func @transform_6(%arg0: i32) -> (i32, i32) {
    %c0_i32 = arith.constant 0 : i32
    %c0_i32_0 = arith.constant 0 : i32
    return %arg0, %c0_i32 : i32, i32
  }
  func.func @transform_7(%arg0: i32) -> (i32, i32) {
    %c0_i32 = arith.constant 0 : i32
    %c0_i32_0 = arith.constant 0 : i32
    return %arg0, %c0_i32 : i32, i32
  }
}

module attributes {stable_mosaic.version = 14 : i64} {
  func.func @_pool_body(%arg0: i32, %arg1: memref<400x128xf32, #tpu.memory_space<vmem>>, %arg2: memref<1x1x400xi32, #tpu.memory_space<vmem>>, %arg3: memref<64x128xf32, #tpu.memory_space<vmem>>, %arg4: memref<64x128xf32, #tpu.memory_space<vmem>>, %arg5: memref<64x128xf32, #tpu.memory_space<vmem>>) attributes {dimension_semantics = [#tpu.dimension_semantics<arbitrary>], iteration_bounds = array<i64: 25>, scalar_prefetch = 0 : i64, scratch_operands = 2 : i64, tpu.core_type = #tpu.core_type<tc>, window_params = [{transform_indices = @transform_0, window_bounds = array<i64: 400, 128>}, {transform_indices = @transform_1, window_bounds = array<i64: 1, 1, 400>}, {pipeline_mode = #tpu.pipeline_mode<synchronous>, transform_indices = @transform_2, window_bounds = array<i64: 64, 128>}]} {
    %eq3A = arith.constant 0 : i32
    %eq3A_0 = arith.cmpi eq, %arg0, %eq3A : i32
    %convert_element_type3A = arith.extui %eq3A_0 : i1 to i32
    %cond3A = arith.constant 0 : i32
    %cond3A_1 = arith.cmpi ne, %convert_element_type3A, %cond3A : i32
    scf.if %cond3A_1 {
      %broadcast_in_dim3A_33 = arith.constant 0.000000e+00 : f32
      %broadcast_in_dim3A_34 = vector.broadcast %broadcast_in_dim3A_33 : f32 to vector<64x128xf32>
      %swap3A_35 = arith.constant 0 : index
      %swap3A_36 = arith.constant 0 : index
      %swap3A_37 = vector.load %arg4[%swap3A_35, %swap3A_36] : memref<64x128xf32, #tpu.memory_space<vmem>>, vector<64x128xf32>
      tpu.vector_store %arg4[%swap3A_35, %swap3A_36], %broadcast_in_dim3A_34 {strides = array<i32>} : memref<64x128xf32, #tpu.memory_space<vmem>>, vector<64x128xf32>,
      %broadcast_in_dim3A_38 = arith.constant 0.000000e+00 : f32
      %broadcast_in_dim3A_39 = vector.broadcast %broadcast_in_dim3A_38 : f32 to vector<64x128xf32>
      %swap3A_40 = arith.constant 0 : index
      %swap3A_41 = arith.constant 0 : index
      %swap3A_42 = vector.load %arg5[%swap3A_40, %swap3A_41] : memref<64x128xf32, #tpu.memory_space<vmem>>, vector<64x128xf32>
      tpu.vector_store %arg5[%swap3A_40, %swap3A_41], %broadcast_in_dim3A_39 {strides = array<i32>} : memref<64x128xf32, #tpu.memory_space<vmem>>, vector<64x128xf32>,
    } else {
    }
    %get3A = arith.constant 0 : index
    %get3A_2 = arith.constant 0 : index
    %get3A_3 = arith.constant 0 : index
    %get3A_4 = vector.load %arg2[%get3A, %get3A_2, %get3A_3] : memref<1x1x400xi32, #tpu.memory_space<vmem>>, vector<1x1x400xi32>
    %get3A_5 = vector.shape_cast %get3A_4 : vector<1x1x400xi32> to vector<1x400xi32>
    %iota3A = tpu.iota {dimensions = array<i32: 0>} : vector<64x400xi32>
    %eq3A_6 = vector.broadcast %get3A_5 : vector<1x400xi32> to vector<64x400xi32>
    %eq3A_7 = arith.cmpi eq, %eq3A_6, %iota3A : vector<64x400xi32>
    %convert_element_type3A_8 = arith.extui %eq3A_7 : vector<64x400xi1> to vector<64x400xi32>
    %convert_element_type3A_9 = arith.sitofp %convert_element_type3A_8 : vector<64x400xi32> to vector<64x400xf32>
    %get3A_10 = arith.constant 0 : index
    %get3A_11 = arith.constant 0 : index
    %get3A_12 = vector.load %arg4[%get3A_10, %get3A_11] : memref<64x128xf32, #tpu.memory_space<vmem>>, vector<64x128xf32>
    %get3A_13 = arith.constant 0 : index
    %get3A_14 = arith.constant 0 : index
    %get3A_15 = vector.load %arg1[%get3A_13, %get3A_14] : memref<400x128xf32, #tpu.memory_space<vmem>>, vector<400x128xf32>
    %dot_general3A = arith.constant dense<0.000000e+00> : vector<64x128xf32>
    %dot_general3A_16 = tpu.matmul %convert_element_type3A_9, %get3A_15, %dot_general3A {dimension_numbers = #tpu.dot_dimension_numbers<[1], [0], [0], [1], [0, 0, 1, 1], [], []>, transpose_lhs_hint = false} : vector<64x400xf32>, vector<400x128xf32>, vector<64x128xf32> -> vector<64x128xf32>
    %add3A = arith.addf %get3A_12, %dot_general3A_16 : vector<64x128xf32>
    %swap3A = arith.constant 0 : index
    %swap3A_17 = arith.constant 0 : index
    %swap3A_18 = vector.load %arg4[%swap3A, %swap3A_17] : memref<64x128xf32, #tpu.memory_space<vmem>>, vector<64x128xf32>
    tpu.vector_store %arg4[%swap3A, %swap3A_17], %add3A {strides = array<i32>} : memref<64x128xf32, #tpu.memory_space<vmem>>, vector<64x128xf32>,
    %get3A_19 = arith.constant 0 : index
    %get3A_20 = arith.constant 0 : index
    %get3A_21 = vector.load %arg5[%get3A_19, %get3A_20] : memref<64x128xf32, #tpu.memory_space<vmem>>, vector<64x128xf32>
    %reduce_sum3A = arith.constant dense<0.000000e+00> : vector<64xf32>
    %reduce_sum3A_22 = vector.multi_reduction <add>, %convert_element_type3A_9, %reduce_sum3A [1] : vector<64x400xf32> to vector<64xf32>
    %broadcast_in_dim3A = vector.shape_cast %reduce_sum3A_22 : vector<64xf32> to vector<64x1xf32>
    %add3A_23 = vector.broadcast %broadcast_in_dim3A : vector<64x1xf32> to vector<64x128xf32>
    %add3A_24 = arith.addf %get3A_21, %add3A_23 : vector<64x128xf32>
    %swap3A_25 = arith.constant 0 : index
    %swap3A_26 = arith.constant 0 : index
    %swap3A_27 = vector.load %arg5[%swap3A_25, %swap3A_26] : memref<64x128xf32, #tpu.memory_space<vmem>>, vector<64x128xf32>
    tpu.vector_store %arg5[%swap3A_25, %swap3A_26], %add3A_24 {strides = array<i32>} : memref<64x128xf32, #tpu.memory_space<vmem>>, vector<64x128xf32>,
    %eq3A_28 = arith.constant 24 : i32
    %eq3A_29 = arith.cmpi eq, %arg0, %eq3A_28 : i32
    %convert_element_type3A_30 = arith.extui %eq3A_29 : i1 to i32
    %cond3A_31 = arith.constant 0 : i32
    %cond3A_32 = arith.cmpi ne, %convert_element_type3A_30, %cond3A_31 : i32
    scf.if %cond3A_32 {
      %get3A_33 = arith.constant 0 : index
      %get3A_34 = arith.constant 0 : index
      %get3A_35 = vector.load %arg4[%get3A_33, %get3A_34] : memref<64x128xf32, #tpu.memory_space<vmem>>, vector<64x128xf32>
      %get3A_36 = arith.constant 0 : index
      %get3A_37 = arith.constant 0 : index
      %get3A_38 = vector.load %arg5[%get3A_36, %get3A_37] : memref<64x128xf32, #tpu.memory_space<vmem>>, vector<64x128xf32>
      %max3A = arith.constant 1.000000e+00 : f32
      %max3A_39 = vector.broadcast %max3A : f32 to vector<64x128xf32>
      %max3A_40 = arith.maximumf %get3A_38, %max3A_39 : vector<64x128xf32>
      %div3A = arith.divf %get3A_35, %max3A_40 : vector<64x128xf32>
      %swap3A_41 = arith.constant 0 : index
      %swap3A_42 = arith.constant 0 : index
      %swap3A_43 = vector.load %arg3[%swap3A_41, %swap3A_42] : memref<64x128xf32, #tpu.memory_space<vmem>>, vector<64x128xf32>
      tpu.vector_store %arg3[%swap3A_41, %swap3A_42], %div3A {strides = array<i32>} : memref<64x128xf32, #tpu.memory_space<vmem>>, vector<64x128xf32>,
    } else {
    }
    return
  }
  func.func @transform_0(%arg0: i32) -> (i32, i32) {
    %c0_i32 = arith.constant 0 : i32
    %c0_i32_0 = arith.constant 0 : i32
    return %arg0, %c0_i32 : i32, i32
  }
  func.func @transform_1(%arg0: i32) -> (i32, i32, i32) {
    %c0_i32 = arith.constant 0 : i32
    %c0_i32_0 = arith.constant 0 : i32
    %c0_i32_1 = arith.constant 0 : i32
    return %arg0, %c0_i32, %c0_i32_0 : i32, i32, i32
  }
  func.func @transform_2(%arg0: i32) -> (i32, i32) {
    %c0_i32 = arith.constant 0 : i32
    %c0_i32_0 = arith.constant 0 : i32
    %c0_i32_1 = arith.constant 0 : i32
    return %c0_i32, %c0_i32_0 : i32, i32
  }
}

</mosaic_0001>

<sc_bundles>
// kernel: kernel.10.cloned.1.call-start
scs
__scs_entry_jumppad:
0x0: {  	(pc) =	sbr.rel $0x88, $3  }
0x1: {  	(tag) =	ssettag $0x0;
	lr =	simm.s32 $0x1  }
0x2: {  	[smem:$0x3F98] =	sst lr;
	_ =	strace $0xD0000000  }
0x3: {  	_ = 	snop  }
0x4: {  	_ = 	snop  }
0x5: {  	_ = 	snop  }
0x6: {  	_ = 	snop  }
0x7: {  	_ = 	snop  }
__scs_overlays_trampoline_lowered:
0x8: {  	[smem:$0x3FA7] =	sst s0  }
0x9: {  	[smem:$0x3FA8] =	sst s1  }
0xa: {  	[smem:$0x3FA9] =	sst s2  }
0xb: {  	[smem:$0x3FAA] =	sst s3  }
0xc: {  	[smem:$0x3FAB] =	sst s4  }
0xd: {  	[smem:$0x3FAC] =	sst s5  }
0xe: {  	[smem:$0x3FAD] =	sst s6  }
0xf: {  	[smem:$0x3FAE] =	sst s7  }
0x10: {  	[smem:$0x3FAF] =	sst s8  }
0x11: {  	[smem:$0x3FB0] =	sst s9;
	s0 =	simm.s32 @!p0 $0x0  }
0x12: {  	s1 =	sld [smem:$0x3F96];
	s0 =	simm.s32 @p0 $0x1  }
0x13: {  	[smem:$0x3FB1] =	sst s0;
	s0 =	simm.s32 @!p1 $0x0  }
0x14: {  	s2 =	sld [smem:$0x3F95];
	s0 =	simm.s32 @p1 $0x1  }
0x15: {  	[smem:$0x3FB2] =	sst s0;
	s0 =	simm.s32 @!p2 $0x0  }
0x16: {  	s3 =	sld [smem:$0x3FDB];
	s0 =	simm.s32 @p2 $0x1  }
0x17: {  	s4 =	simm.s32 $0x1BF5;
	[smem:$0x3FB4] =	sst s0  }
0x18: {  	s0 =	sld [smem:$0x3F97];
	_ =	swait.ge [sflag:s4], $0x0  }
0x19: {  	s7 =	sld [smem:$0x3F98]  }
0x1a: {  	s8 =	sadd.s32 $0xFFFFE003, lr  }
0x1b: {  	s9 =	sadd.s32 $0xFFFFFEF7, lr;
	s5 =	simm.s32 $0xFFFFFFFF;
	p2 =	slt.u32 s8, $0xFFFFF086  }
0x1c: {  	p1 =	slt.u32 s9, $0xF7A;
	s5 =	simm.s32 @!p2 $0x0  }
0x1d: {  	s5 =	simm.s32 @p1 $0x1;
	p0 =	seq.s32 s7, s2  }
0x1e: {  	s7 =	smul.u32 @!p0 $0xF7A, s2;
	p2 =	seq.s32 @!p0 s5, $0x0  }
0x1f: {  	s9 =	smul.u32 $0xF7A, s1;
	s8 =	simm.s32 @!p0 $0x1BF5;
	p2 =	por !p2, p0  }
0x20: {  	[sflag:s8] =	ssyncset.s32 @!p0 $0xFFFFF086;
	s6 =	sadd.s32 @!p0 s3, s7;
	s7 =	simm.s32 @!p0 $0x108  }
0x21: {  	s3 =	sadd.s32 s3, s9;
	s6 =	sadd.s32 @!p0 $0x88, s6;
	s7 =	simm.s32 @p2 $0x1082  }
0x22: {  	[simem:s7], [sflag:s8] =	dma.local @!p0 [hbm:s6], $0xF7A  }
0x23: {  	s9 =	sor.u32 $0xD0000000, s2;
	s6 =	simm.s32 $0x108;
	_ =	swait.ge @!p0 [sflag:s8], $0x0  }
0x24: {  	s3 =	sadd.s32 $0x88, s3;
	s6 =	simm.s32 @!p1 $0x1082;
	[sflag:s4] =	ssyncset.s32 $0xFFFFF086  }
0x25: {  	[simem:s6], [sflag:s4] =	dma.local [hbm:s3], $0xF7A  }
0x26: {  	[smem:$0x3F98] =	sst s1;
	(tag) =	ssettag s2;
	_ =	strace s9  }
0x27: {  	s1 =	sld [smem:$0x3FA8]  }
0x28: {  	s2 =	sld [smem:$0x3FA9]  }
0x29: {  	s4 =	sld [smem:$0x3FAB]  }
0x2a: {  	p0 =	seq.s32 s5, $0x0;
	s5 =	sld [smem:$0x3FAC]  }
0x2b: {  	s6 =	sld [smem:$0x3FAD]  }
0x2c: {  	s7 =	sld [smem:$0x3FAE]  }
0x2d: {  	s3 =	simm.s32 $0x108;
	s8 =	sld [smem:$0x3FAF]  }
0x2e: {  	s3 =	simm.s32 @!p0 $0x1082;
	s9 =	sld [smem:$0x3FB0]  }
0x2f: {  	lr =	sadd.s32 s0, s3;
	s0 =	sld [smem:$0x3FA7]  }
0x30: {  	s3 =	sld [smem:$0x3FAA]  }
0x31: {  	[smem:$0x3FB3] =	sst s10  }
0x32: {  	s10 =	sld [smem:$0x3FB1];
	_ =	sdelay $0x3  }
0x33: {  	p0 =	seq.s32 s10, $0x1;
	s10 =	sld [smem:$0x3FB3];
	_ =	sdelay $0x3  }
0x34: {  	[smem:$0x3FB3] =	sst s10  }
0x35: {  	s10 =	sld [smem:$0x3FB2];
	_ =	sdelay $0x3  }
0x36: {  	p1 =	seq.s32 s10, $0x1;
	s10 =	sld [smem:$0x3FB3];
	_ =	sdelay $0x3  }
0x37: {  	[smem:$0x3FB3] =	sst s10  }
0x38: {  	s10 =	sld [smem:$0x3FB4]  }
0x39: {  	_ = 	snop;
	(pc) =	sbr.ind lr, $3  }
0x3a: {  	_ = 	snop  }
0x3b: {  	_ = 	snop  }
0x3c: {  	p2 =	seq.s32 s10, $0x1;
	s10 =	sld [smem:$0x3FB3]  }
0x3d: {  	_ =	shalt  }
0x3e: {  	_ =	shalt  }
0x3f: {  	_ =	shalt  }
0x40: {  	_ =	shalt  }
0x41: {  	_ =	shalt  }
0x42: {  	_ =	shalt  }
0x43: {  	_ =	shalt  }
0x44: {  	_ =	shalt  }
0x45: {  	_ =	shalt  }
0x46: {  	_ =	shalt  }
0x47: {  	_ =	shalt  }
0x48: {  	_ =	shalt  }
0x49: {  	_ =	shalt  }
0x4a: {  	_ =	shalt  }
0x4b: {  	_ =	shalt  }
0x4c: {  	_ =	shalt  }
0x4d: {  	_ =	shalt  }
0x4e: {  	_ =	shalt  }
0x4f: {  	_ =	shalt  }
0x50: {  	_ =	shalt  }
0x51: {  	_ =	shalt  }
0x52: {  	_ =	shalt  }
0x53: {  	_ =	shalt  }
0x54: {  	_ =	shalt  }
0x55: {  	_ =	shalt  }
0x56: {  	_ =	shalt  }
0x57: {  	_ =	shalt  }
0x58: {  	_ =	shalt  }
0x59: {  	_ =	shalt  }
0x5a: {  	_ =	shalt  }
0x5b: {  	_ =	shalt  }
0x5c: {  	_ =	shalt  }
0x5d: {  	_ =	shalt  }
0x5e: {  	_ =	shalt  }
0x5f: {  	_ =	shalt  }
0x60: {  	_ =	shalt  }
0x61: {  	_ =	shalt  }
0x62: {  	_ =	shalt  }
0x63: {  	_ =	shalt  }
0x64: {  	_ =	shalt  }
0x65: {  	_ =	shalt  }
0x66: {  	_ =	shalt  }
0x67: {  	_ =	shalt  }
0x68: {  	_ =	shalt  }
0x69: {  	_ =	shalt  }
0x6a: {  	_ =	shalt  }
0x6b: {  	_ =	shalt  }
0x6c: {  	_ =	shalt  }
0x6d: {  	_ =	shalt  }
0x6e: {  	_ =	shalt  }
0x6f: {  	_ =	shalt  }
0x70: {  	_ =	shalt  }
0x71: {  	_ =	shalt  }
0x72: {  	_ =	shalt  }
0x73: {  	_ =	shalt  }
0x74: {  	_ =	shalt  }
0x75: {  	_ =	shalt  }
0x76: {  	_ =	shalt  }
0x77: {  	_ =	shalt  }
0x78: {  	_ =	shalt  }
0x79: {  	_ =	shalt  }
0x7a: {  	_ =	shalt  }
0x7b: {  	_ =	shalt  }
0x7c: {  	_ =	shalt  }
0x7d: {  	_ =	shalt  }
0x7e: {  	_ =	shalt  }
0x7f: {  	_ =	shalt  }
0x80: {  	_ =	shalt  }
0x81: {  	_ =	shalt  }
0x82: {  	_ =	shalt  }
0x83: {  	_ =	shalt  }
0x84: {  	_ =	shalt  }
0x85: {  	_ =	shalt  }
0x86: {  	_ =	shalt  }
0x87: {  	_ =	shalt  }
.Lfunc_end0:
.L_simem_size_0:
called_computation_lowered:
.L_overlay_start_0:
0x88: {  	s2 =	sld [smem:$0x3FD9]  }
0x89: {  	s3 =	sld [smem:$0x3FFE];
	_ =	sdelay $0x1  }
0x8a: {  	s1 =	srdreg.scid  }
0x8b: {  	s0 =	sand.u32 $0x1, s1  }
0x8c: {  	s16 =	sshll.u32 s0, $0xA;
	s2 =	sadd.s32 s3, s2  }
0x8d: {  	s2 =	sadd.s32 s2, s16  }
0x8e: {  	[smem:$0x3FBF] =	sst s2  }
0x8f: {  	_ = 	snop  }
0x90: {  	(tm) =	ssettm $0x1  }
0x91: {  	s17 =	sld [smem:$0x3FFB];
	_ =	sdelay $0x3  }
0x92: {  	_ =	strace s17  }
0x93: {  	s2 =	sld [smem:$0x3FFC];
	_ =	sdelay $0x3  }
0x94: {  	_ =	strace s2  }
0x95: {  	s2 =	sld [smem:$0x3FFD];
	_ =	sdelay $0x3  }
0x96: {  	_ =	strace s2  }
0x97: {  	_ =	strace $0x8FFFFFFF  }
0x98: {  	s18 =	sld [smem:$0x3FDB];
	_ =	sdelay $0x1  }
0x99: {  	s19 =	simm.s32 $_scs_section_size  }
0x9a: {  	s4 =	simm.s32 $_size__tile_overlayer_lowered;
	s5 =	simm.s32 $_tile_overlayer_lowered  }
0x9b: {  	s22 =	simm.s32 $0x1BFF;
	s21 =	sshll.u32 s5, $0x1;
	s2 =	sadd.s32 s19, s18  }
0x9c: {  	s6 =	simm.s32 $0x0;
	s20 =	sshll.u32 s4, $0x1;
	s4 =	sadd.s32 s21, s2  }
0x9d: {  	[timem:s6], [sflag:s22] =	dma.local [hbm:s4], s20  }
0x9e: {  	_ =	swait.ge [sflag:s22], s20  }
0x9f: {  	s3 =	ssub.s32 $0x0, s20;
	[sflag:s22] =	ssyncset.done $0x0  }
0xa0: {  	[sflag:s22] =	ssyncadd.s32 s3;
	_ =	sdelay $0x1  }
0xa1: {  	s23 =	simm.s32 $0x1B8B  }
0xa2: {  	_ =	swait.ge [sflag:s23], $0x1  }
0xa3: {  	[sflag:s23] =	ssyncset.done $0x0  }
0xa4: {  	s25 =	simm.s32 $0x1B8E;
	s24 =	sld [smem:$0x3FFE];
	[sflag:s23] =	ssyncadd.s32 $0xFFFFFFFF  }
0xa5: {  	s26 =	simm.s32 $execute0_lowered;
	[smem:$0x3FD2] =	sst s25  }
0xa6: {  	s4 =	sshll.u32 s26, $0x1;
	_ =	strace $0x80000046;
	[dreg:$0x1] =	wrdreg $0xFFFFFFFF  }
0xa7: {  	s28 =	simm.s32 $_size_execute0_lowered;
	s2 =	sadd.s32 s2, s4;
	[dreg:$0x0] =	wrdreg $0x0  }
0xa8: {  	s4 =	sshll.u32 s28, $0x1;
	[dreg:$0x2] =	wrdreg s2  }
0xa9: {  	[dreg:$0x3] =	wrdreg s4  }
0xaa: {  	[dreg:$0x4] =	wrdreg $0xC0  }
0xab: {  	_ =	task [dreg:s6], $0x5FFFF  }
0xac: {  	[dreg:$0x1] =	wrdreg $0xFFFFFFFF  }
0xad: {  	[dreg:$0x0] =	wrdreg $0x60  }
0xae: {  	[dreg:$0x2] =	wrdreg s24  }
0xaf: {  	[dreg:$0x3] =	wrdreg $0xA8000  }
0xb0: {  	[dreg:$0x4] =	wrdreg $0x9  }
0xb1: {  	_ =	task.clear_ibuf [dreg:s6], $0x5FFFF;
	_ =	strace $0x90000046  }
0xb2: {  	s29 =	simm.s32 $0x9;
	_ =	strace $0x80000048  }
0xb3: {  	_ =	swait.ge [sflag:s29], $0x1  }
0xb4: {  	[sflag:s29] =	ssyncadd.s32 $0xFFFFFFFF  }
0xb5: {  	_ =	strace $0x90000048  }
0xb6: {  	_ =	sfence  }
0xb7: {  	s30 =	sld [smem:$0x0];
	_ =	sdelay $0x2  }
0xb8: {  	s31 =	sshll.u32 s1, $0xD;
	s1 =	sshrl.u32 s1, $0x2  }
0xb9: {  	s3 =	sand.u32 $0x4000, s31;
	s1 =	sadd.s32 s1, s30  }
0xba: {  	s0 =	sor.u32 s3, s0;
	s1 =	sshll.u32 s1, $0x11  }
0xbb: {  	s0 =	sor.u32 s1, s0  }
0xbc: {  	s0 =	sadd.s32 $0x8F2B, s0  }
0xbd: {  	[sflag:s0] =	ssyncadd.remote.s32 $0x1  }
0xbe: {  	_ =	sfence.sel $0xFFFF  }
0xbf: {  	[dreg:$0x0] =	wrdreg $0xFFFFFFFF;
	(pc) =	sbr.abs _section_cstart, $3  }
0xc0: {  	[dreg:$0x1] =	wrdreg $0xFFFFFFFF  }
0xc1: {  	_ =	task.clear_ibuf [dreg:s6], $0x2FFFF;
	_ =	strace $0x9FFFFFFF  }
0xc2: {  	(tm) =	ssettm $0x7FFFFFFF  }
0xc3: {  	_ =	shalt  }
tec
execute0_lowered:
.L_overlay_start_1:
0x0: {  	(tag) =	ssettag $0x1  }
0x1: {  	s6 =	rddreg [dreg:$0x0]  }
0x2: {  	s1 =	rddreg [dreg:$0x1]  }
0x3: {  	s0 =	rddreg [dreg:$0x2];
	s3 =	simm.s32 $0x0;
	s4 =	srdreg.scid  }
0x4: {  	s2 =	stileid.u32;
	s13 =	simm.s32 $0x4000;
	s14 =	simm.s32 $0x50  }
0x5: {  	s15 =	simm.s32 $0x8000;
	s16 =	simm.s32 $0x1;
	s17 =	simm.s32 $0x0  }
0x6: {  	[smem:$0x7FF] =	sst s3;
	s7 =	sand.u32 $0x1, s4;
	s8 =	smul.u32 $0x2780, s2  }
0x7: {  	s26 =	sshll.u32 s2, $0xC;
	s4 =	sadd.s32 $0x22800, s6;
	s11 =	smul.u32 $0x4F000, s2  }
0x8: {  	s31 =	sshll.u32 s2, $0x6;
	s5 =	sshll.u32 s7, $0xB;
	_ =	strace $0x80000047  }
0x9: {  	s9 =	smul.u32 $0x27800, s7;
	s7 =	ssub.s32 $0x2, s7;
	s5 =	sor.u32 s5, s26  }
0xa: {  	s28 =	sshrl.u32 s7, $0x1;
	s29 =	sshrl.u32 s11, $0x2;
	s10 =	sadd.s32 s5, s6  }
0xb: {  	s5 =	sadd.s32 $0x49A00, s6;
	s8 =	sadd.s32 s8, s9;
	s30 =	ssub.s32 s7, s28  }
0xc: {  	s12 =	sadd.s32 s29, s1;
	s9 =	sadd.s32 s8, s6;
	s6 =	sor.u32 $0x1C02, s31  }
0xd: {  	s7 =	sadd.s32 $0x2800, s10;
	s8 =	sadd.s32 $0x12800, s10;
	s10 =	smax.u32 s30, $0x1  }
0xe: {  	s11 =	sshrl.u32 s12, $0x3;
	s12 =	simm.s32 $0x2;
	s9 =	sadd.s32 $0x4C200, s9  }
.LBB2_1:
0xf: {  	[spmem:s11], [sflag:s6] =	dma.local [hbm:s5], $0x2780  }
0x10: {  	_ =	swait.ge [sflag:s12], $0x2780  }
0x11: {  	[sflag:s12] =	ssyncset.done $0x0  }
0x12: {  	[sflag:s12] =	ssyncadd.s32 $0xFFFFD880  }
0x13: {  	[tilespmem:s3], [sflag:$0x2] =	stream.linear.gather [hbm4b:s7+s3], $0x3E80, $0x38;
	[tilespmem:$0x1E400] =	vst v63  }
0x14: {  	_ =	swait.ge [sflag:s12], $0x3E80  }
0x15: {  	[sflag:s12] =	ssyncset.done $0x0  }
0x16: {  	[sflag:s12] =	ssyncadd.s32 $0xFFFFC180  }
0x17: {  	[tilespmem:s13], [sflag:$0x2] =	stream.linear.gather [hbm4b:s8+s3], $0x3E80, $0x38;
	[tilespmem:$0x1E400] =	vst v63  }
0x18: {  	_ =	swait.ge [sflag:s12], $0x3E80  }
0x19: {  	[sflag:s12] =	ssyncset.done $0x0  }
0x1a: {  	[sflag:s12] =	ssyncadd.s32 $0xFFFFC180  }
0x1b: {  	s18 =	simm.s32 $0x0;
	[bflag:$0x0] =	sbarrier.arrive $0xFFFF  }
0x1c: {  	[tilespmem:s15], [sflag:$0x1] =	stream.indirect.gather [hbm4b:s4+s14], $0x80, s18, s14, $0xb8;
	[tilespmem:$0x1E400] =	vst v63  }
0x1d: {  	_ =	swait.ge [sflag:s16], $0x2800  }
0x1e: {  	[sflag:s16] =	ssyncset.done $0x0  }
0x1f: {  	s31 =	simm.s32 $0x4000;
	[sflag:s16] =	ssyncadd.s32 $0xFFFFD800  }
0x20: {  	[spmem:s1] =	stream.indirect.scatter.add.f32 [tilespmem:s15], [sflag:$0x2], $0x80, s31, s14, $0xb8;
	[tilespmem:$0x1E400] =	vst v63  }
0x21: {  	_ =	swait.ge [sflag:s12], $0x2800  }
0x22: {  	s19 =	simm.s32 $0x400;
	s18 =	simm.s32 $0x200;
	[sflag:s12] =	ssyncset.done $0x0  }
.LBB2_2:
0x23: {  	s20 =	sshra.s32 s18, $0x2  }
0x24: {  	[sflag:s12] =	ssyncadd.s32 $0xFFFFD800;
	s18 =	smov.u32 s19;
	s21 =	sadd.s32 $0x200, s19  }
0x25: {  	[tilespmem:s15], [sflag:$0x1] =	stream.indirect.gather [hbm4b:s4+s14], $0x80, s20, s14, $0xb8;
	[tilespmem:$0x1E400] =	vst v63  }
0x26: {  	p0 =	sne.s32 s19, $0xF800;
	_ =	swait.ge [sflag:s16], $0x2800  }
.Ltmp0:
0x27: {  	[sflag:s16] =	ssyncset.done $0x0;
	(pc) =	sbr.rel @p0 .LBB2_2-.Ltmp0, $4  }
0x28: {  	s19 =	sadd.s32 $0x4000, s20;
	[sflag:s16] =	ssyncadd.s32 $0xFFFFD800  }
0x29: {  	[spmem:s1] =	stream.indirect.scatter.add.f32 [tilespmem:s15], [sflag:$0x2], $0x80, s19, s14, $0xb8;
	[tilespmem:$0x1E400] =	vst v63  }
0x2a: {  	_ =	swait.ge [sflag:s12], $0x2800  }
0x2b: {  	s19 =	smov.u32 s21;
	[sflag:s12] =	ssyncset.done $0x0  }
0x2c: {  	s18 =	sshra.s32 s18, $0x2;
	[sflag:s12] =	ssyncadd.s32 $0xFFFFD800  }
0x2d: {  	[tilespmem:s15], [sflag:$0x1] =	stream.indirect.gather [hbm4b:s4+s14], $0x80, s18, s14, $0xb8;
	[tilespmem:$0x1E400] =	vst v63  }
0x2e: {  	_ =	swait.ge [sflag:s16], $0x2800  }
0x2f: {  	[sflag:s16] =	ssyncset.done $0x0  }
0x30: {  	s18 =	sadd.s32 $0x4000, s18;
	[sflag:s16] =	ssyncadd.s32 $0xFFFFD800  }
0x31: {  	[spmem:s1] =	stream.indirect.scatter.add.f32 [tilespmem:s15], [sflag:$0x2], $0x80, s18, s14, $0xb8;
	[tilespmem:$0x1E400] =	vst v63  }
0x32: {  	_ =	swait.ge [sflag:s12], $0x2800  }
0x33: {  	s17 =	sadd.s32 $0x1, s17;
	[sflag:s12] =	ssyncset.done $0x0  }
0x34: {  	p0 =	sne.s32 s17, s10;
	[sflag:s12] =	ssyncadd.s32 $0xFFFFD800  }
.Ltmp1:
0x35: {  	[bflag:$0x0] =	sbarrier.arrive $0xFFFF;
	(pc) =	sbr.rel @p0 .LBB2_1-.Ltmp1, $4  }
0x36: {  	[hbm:s9], [sflag:s6] =	dma.local [spmem:s11], $0x2780  }
0x37: {  	_ =	swait.ge [sflag:s12], $0x2780  }
0x38: {  	[sflag:s12] =	ssyncset.done $0x0  }
0x39: {  	[sflag:s12] =	ssyncadd.s32 $0xFFFFD880  }
0x3a: {  	_ =	sfence.sel $0x180000  }
0x3b: {  	[bflag:$0x0] =	sbarrier.arrive $0xFFFF  }
0x3c: {  	p0 =	sne.s32 s2, $0x0;
	_ =	strace $0x90000047  }
0x3d: {  	s0 =	sadd.s32 @!p0 $0x100000, s0;
	[bflag:$0x2] =	sbarrier.arrive $0xFFFF  }
0x3e: {  	[sflag:s0] =	ssyncadd.tile.s32 @!p0 $0x1;
	_ =	shalt  }
.Lfunc_end2:
_tile_overlayer_lowered:
.L_overlay_start_2:
0x3f: {  	(tag) =	ssettag $0x2  }
0x40: {  	s0 =	rddreg [dreg:$0x0];
	s2 =	stileid.u32  }
0x41: {  	s1 =	rddreg [dreg:$0x1];
	p0 =	sne.s32 s2, $0x0  }
0x42: {  	s3 =	rddreg [dreg:$0x2];
	[bflag:$0x3] =	sbarrier.arrive $0xFFFF;
	s2 =	simm.s32 @!p0 $0x1C02  }
0x43: {  	[timem:s3], [sflag:s2] =	dma.local @!p0 [hbm:s0], s1  }
0x44: {  	s0 =	simm.s32 @!p0 $0x2  }
0x45: {  	_ =	swait.ge @!p0 [sflag:s0], s1  }
0x46: {  	s1 =	ssub.s32 @!p0 $0x0, s1;
	[sflag:s0] =	ssyncset.done @!p0 $0x0  }
0x47: {  	[sflag:s0] =	ssyncadd.s32 @!p0 s1  }
0x48: {  	[bflag:$0x3] =	sbarrier.arrive $0xFFFF  }
0x49: {  	_ =	shalt  }

// kernel: kernel.13.cloned.1.call-start
scs
__scs_entry_jumppad:
0x0: {  	(pc) =	sbr.rel $0x88, $3  }
0x1: {  	(tag) =	ssettag $0x0;
	lr =	simm.s32 $0x1  }
0x2: {  	[smem:$0x3F98] =	sst lr;
	_ =	strace $0xD0000000  }
0x3: {  	_ = 	snop  }
0x4: {  	_ = 	snop  }
0x5: {  	_ = 	snop  }
0x6: {  	_ = 	snop  }
0x7: {  	_ = 	snop  }
__scs_overlays_trampoline_lowered:
0x8: {  	[smem:$0x3FA7] =	sst s0  }
0x9: {  	[smem:$0x3FA8] =	sst s1  }
0xa: {  	[smem:$0x3FA9] =	sst s2  }
0xb: {  	[smem:$0x3FAA] =	sst s3  }
0xc: {  	[smem:$0x3FAB] =	sst s4  }
0xd: {  	[smem:$0x3FAC] =	sst s5  }
0xe: {  	[smem:$0x3FAD] =	sst s6  }
0xf: {  	[smem:$0x3FAE] =	sst s7  }
0x10: {  	[smem:$0x3FAF] =	sst s8  }
0x11: {  	[smem:$0x3FB0] =	sst s9;
	s0 =	simm.s32 @!p0 $0x0  }
0x12: {  	s1 =	sld [smem:$0x3F96];
	s0 =	simm.s32 @p0 $0x1  }
0x13: {  	[smem:$0x3FB1] =	sst s0;
	s0 =	simm.s32 @!p1 $0x0  }
0x14: {  	s2 =	sld [smem:$0x3F95];
	s0 =	simm.s32 @p1 $0x1  }
0x15: {  	[smem:$0x3FB2] =	sst s0;
	s0 =	simm.s32 @!p2 $0x0  }
0x16: {  	s3 =	sld [smem:$0x3FDB];
	s0 =	simm.s32 @p2 $0x1  }
0x17: {  	s4 =	simm.s32 $0x1BF5;
	[smem:$0x3FB4] =	sst s0  }
0x18: {  	s0 =	sld [smem:$0x3F97];
	_ =	swait.ge [sflag:s4], $0x0  }
0x19: {  	s7 =	sld [smem:$0x3F98]  }
0x1a: {  	s8 =	sadd.s32 $0xFFFFE003, lr  }
0x1b: {  	s9 =	sadd.s32 $0xFFFFFEF7, lr;
	s5 =	simm.s32 $0xFFFFFFFF;
	p2 =	slt.u32 s8, $0xFFFFF086  }
0x1c: {  	p1 =	slt.u32 s9, $0xF7A;
	s5 =	simm.s32 @!p2 $0x0  }
0x1d: {  	s5 =	simm.s32 @p1 $0x1;
	p0 =	seq.s32 s7, s2  }
0x1e: {  	s7 =	smul.u32 @!p0 $0xF7A, s2;
	p2 =	seq.s32 @!p0 s5, $0x0  }
0x1f: {  	s9 =	smul.u32 $0xF7A, s1;
	s8 =	simm.s32 @!p0 $0x1BF5;
	p2 =	por !p2, p0  }
0x20: {  	[sflag:s8] =	ssyncset.s32 @!p0 $0xFFFFF086;
	s6 =	sadd.s32 @!p0 s3, s7;
	s7 =	simm.s32 @!p0 $0x108  }
0x21: {  	s3 =	sadd.s32 s3, s9;
	s6 =	sadd.s32 @!p0 $0x88, s6;
	s7 =	simm.s32 @p2 $0x1082  }
0x22: {  	[simem:s7], [sflag:s8] =	dma.local @!p0 [hbm:s6], $0xF7A  }
0x23: {  	s9 =	sor.u32 $0xD0000000, s2;
	s6 =	simm.s32 $0x108;
	_ =	swait.ge @!p0 [sflag:s8], $0x0  }
0x24: {  	s3 =	sadd.s32 $0x88, s3;
	s6 =	simm.s32 @!p1 $0x1082;
	[sflag:s4] =	ssyncset.s32 $0xFFFFF086  }
0x25: {  	[simem:s6], [sflag:s4] =	dma.local [hbm:s3], $0xF7A  }
0x26: {  	[smem:$0x3F98] =	sst s1;
	(tag) =	ssettag s2;
	_ =	strace s9  }
0x27: {  	s1 =	sld [smem:$0x3FA8]  }
0x28: {  	s2 =	sld [smem:$0x3FA9]  }
0x29: {  	s4 =	sld [smem:$0x3FAB]  }
0x2a: {  	p0 =	seq.s32 s5, $0x0;
	s5 =	sld [smem:$0x3FAC]  }
0x2b: {  	s6 =	sld [smem:$0x3FAD]  }
0x2c: {  	s7 =	sld [smem:$0x3FAE]  }
0x2d: {  	s3 =	simm.s32 $0x108;
	s8 =	sld [smem:$0x3FAF]  }
0x2e: {  	s3 =	simm.s32 @!p0 $0x1082;
	s9 =	sld [smem:$0x3FB0]  }
0x2f: {  	lr =	sadd.s32 s0, s3;
	s0 =	sld [smem:$0x3FA7]  }
0x30: {  	s3 =	sld [smem:$0x3FAA]  }
0x31: {  	[smem:$0x3FB3] =	sst s10  }
0x32: {  	s10 =	sld [smem:$0x3FB1];
	_ =	sdelay $0x3  }
0x33: {  	p0 =	seq.s32 s10, $0x1;
	s10 =	sld [smem:$0x3FB3];
	_ =	sdelay $0x3  }
0x34: {  	[smem:$0x3FB3] =	sst s10  }
0x35: {  	s10 =	sld [smem:$0x3FB2];
	_ =	sdelay $0x3  }
0x36: {  	p1 =	seq.s32 s10, $0x1;
	s10 =	sld [smem:$0x3FB3];
	_ =	sdelay $0x3  }
0x37: {  	[smem:$0x3FB3] =	sst s10  }
0x38: {  	s10 =	sld [smem:$0x3FB4]  }
0x39: {  	_ = 	snop;
	(pc) =	sbr.ind lr, $3  }
0x3a: {  	_ = 	snop  }
0x3b: {  	_ = 	snop  }
0x3c: {  	p2 =	seq.s32 s10, $0x1;
	s10 =	sld [smem:$0x3FB3]  }
0x3d: {  	_ =	shalt  }
0x3e: {  	_ =	shalt  }
0x3f: {  	_ =	shalt  }
0x40: {  	_ =	shalt  }
0x41: {  	_ =	shalt  }
0x42: {  	_ =	shalt  }
0x43: {  	_ =	shalt  }
0x44: {  	_ =	shalt  }
0x45: {  	_ =	shalt  }
0x46: {  	_ =	shalt  }
0x47: {  	_ =	shalt  }
0x48: {  	_ =	shalt  }
0x49: {  	_ =	shalt  }
0x4a: {  	_ =	shalt  }
0x4b: {  	_ =	shalt  }
0x4c: {  	_ =	shalt  }
0x4d: {  	_ =	shalt  }
0x4e: {  	_ =	shalt  }
0x4f: {  	_ =	shalt  }
0x50: {  	_ =	shalt  }
0x51: {  	_ =	shalt  }
0x52: {  	_ =	shalt  }
0x53: {  	_ =	shalt  }
0x54: {  	_ =	shalt  }
0x55: {  	_ =	shalt  }
0x56: {  	_ =	shalt  }
0x57: {  	_ =	shalt  }
0x58: {  	_ =	shalt  }
0x59: {  	_ =	shalt  }
0x5a: {  	_ =	shalt  }
0x5b: {  	_ =	shalt  }
0x5c: {  	_ =	shalt  }
0x5d: {  	_ =	shalt  }
0x5e: {  	_ =	shalt  }
0x5f: {  	_ =	shalt  }
0x60: {  	_ =	shalt  }
0x61: {  	_ =	shalt  }
0x62: {  	_ =	shalt  }
0x63: {  	_ =	shalt  }
0x64: {  	_ =	shalt  }
0x65: {  	_ =	shalt  }
0x66: {  	_ =	shalt  }
0x67: {  	_ =	shalt  }
0x68: {  	_ =	shalt  }
0x69: {  	_ =	shalt  }
0x6a: {  	_ =	shalt  }
0x6b: {  	_ =	shalt  }
0x6c: {  	_ =	shalt  }
0x6d: {  	_ =	shalt  }
0x6e: {  	_ =	shalt  }
0x6f: {  	_ =	shalt  }
0x70: {  	_ =	shalt  }
0x71: {  	_ =	shalt  }
0x72: {  	_ =	shalt  }
0x73: {  	_ =	shalt  }
0x74: {  	_ =	shalt  }
0x75: {  	_ =	shalt  }
0x76: {  	_ =	shalt  }
0x77: {  	_ =	shalt  }
0x78: {  	_ =	shalt  }
0x79: {  	_ =	shalt  }
0x7a: {  	_ =	shalt  }
0x7b: {  	_ =	shalt  }
0x7c: {  	_ =	shalt  }
0x7d: {  	_ =	shalt  }
0x7e: {  	_ =	shalt  }
0x7f: {  	_ =	shalt  }
0x80: {  	_ =	shalt  }
0x81: {  	_ =	shalt  }
0x82: {  	_ =	shalt  }
0x83: {  	_ =	shalt  }
0x84: {  	_ =	shalt  }
0x85: {  	_ =	shalt  }
0x86: {  	_ =	shalt  }
0x87: {  	_ =	shalt  }
.Lfunc_end0:
.L_simem_size_0:
called_computation.1_lowered:
.L_overlay_start_0:
0x88: {  	s2 =	sld [smem:$0x3FD9]  }
0x89: {  	s3 =	sld [smem:$0x3FFE];
	_ =	sdelay $0x1  }
0x8a: {  	s1 =	srdreg.scid  }
0x8b: {  	s0 =	sand.u32 $0x1, s1  }
0x8c: {  	s16 =	sshll.u32 s0, $0xA;
	s2 =	sadd.s32 s3, s2  }
0x8d: {  	s2 =	sadd.s32 s2, s16  }
0x8e: {  	[smem:$0x3FBF] =	sst s2  }
0x8f: {  	_ = 	snop  }
0x90: {  	(tm) =	ssettm $0x1  }
0x91: {  	s17 =	sld [smem:$0x3FFB];
	_ =	sdelay $0x3  }
0x92: {  	_ =	strace s17  }
0x93: {  	s2 =	sld [smem:$0x3FFC];
	_ =	sdelay $0x3  }
0x94: {  	_ =	strace s2  }
0x95: {  	s2 =	sld [smem:$0x3FFD];
	_ =	sdelay $0x3  }
0x96: {  	_ =	strace s2  }
0x97: {  	_ =	strace $0x8FFFFFFF  }
0x98: {  	s18 =	sld [smem:$0x3FDB];
	_ =	sdelay $0x1  }
0x99: {  	s19 =	simm.s32 $_scs_section_size  }
0x9a: {  	s4 =	simm.s32 $_size__tile_overlayer_lowered;
	s5 =	simm.s32 $_tile_overlayer_lowered  }
0x9b: {  	s22 =	simm.s32 $0x1BFF;
	s21 =	sshll.u32 s5, $0x1;
	s2 =	sadd.s32 s19, s18  }
0x9c: {  	s6 =	simm.s32 $0x0;
	s20 =	sshll.u32 s4, $0x1;
	s4 =	sadd.s32 s21, s2  }
0x9d: {  	[timem:s6], [sflag:s22] =	dma.local [hbm:s4], s20  }
0x9e: {  	_ =	swait.ge [sflag:s22], s20  }
0x9f: {  	s3 =	ssub.s32 $0x0, s20;
	[sflag:s22] =	ssyncset.done $0x0  }
0xa0: {  	[sflag:s22] =	ssyncadd.s32 s3;
	_ =	sdelay $0x1  }
0xa1: {  	s23 =	simm.s32 $0x1B8B  }
0xa2: {  	_ =	swait.ge [sflag:s23], $0x1  }
0xa3: {  	[sflag:s23] =	ssyncset.done $0x0  }
0xa4: {  	s25 =	simm.s32 $0x1B8E;
	s24 =	sld [smem:$0x3FFE];
	[sflag:s23] =	ssyncadd.s32 $0xFFFFFFFF  }
0xa5: {  	s26 =	simm.s32 $execute0_lowered;
	[smem:$0x3FD2] =	sst s25  }
0xa6: {  	s4 =	sshll.u32 s26, $0x1;
	_ =	strace $0x80000049;
	[dreg:$0x1] =	wrdreg $0xFFFFFFFF  }
0xa7: {  	s28 =	simm.s32 $_size_execute0_lowered;
	s2 =	sadd.s32 s2, s4;
	[dreg:$0x0] =	wrdreg $0x0  }
0xa8: {  	s4 =	sshll.u32 s28, $0x1;
	[dreg:$0x2] =	wrdreg s2  }
0xa9: {  	[dreg:$0x3] =	wrdreg s4  }
0xaa: {  	[dreg:$0x4] =	wrdreg $0xC0  }
0xab: {  	_ =	task [dreg:s6], $0x5FFFF  }
0xac: {  	[dreg:$0x1] =	wrdreg $0xFFFFFFFF  }
0xad: {  	[dreg:$0x0] =	wrdreg $0x60  }
0xae: {  	[dreg:$0x2] =	wrdreg s24  }
0xaf: {  	[dreg:$0x3] =	wrdreg $0xA8000  }
0xb0: {  	[dreg:$0x4] =	wrdreg $0x9  }
0xb1: {  	_ =	task.clear_ibuf [dreg:s6], $0x5FFFF;
	_ =	strace $0x90000049  }
0xb2: {  	s29 =	simm.s32 $0x9;
	_ =	strace $0x8000004B  }
0xb3: {  	_ =	swait.ge [sflag:s29], $0x1  }
0xb4: {  	[sflag:s29] =	ssyncadd.s32 $0xFFFFFFFF  }
0xb5: {  	_ =	strace $0x9000004B  }
0xb6: {  	_ =	sfence  }
0xb7: {  	s30 =	sld [smem:$0x0];
	_ =	sdelay $0x2  }
0xb8: {  	s31 =	sshll.u32 s1, $0xD;
	s1 =	sshrl.u32 s1, $0x2  }
0xb9: {  	s3 =	sand.u32 $0x4000, s31;
	s1 =	sadd.s32 s1, s30  }
0xba: {  	s0 =	sor.u32 s3, s0;
	s1 =	sshll.u32 s1, $0x11  }
0xbb: {  	s0 =	sor.u32 s1, s0  }
0xbc: {  	s0 =	sadd.s32 $0x8F2B, s0  }
0xbd: {  	[sflag:s0] =	ssyncadd.remote.s32 $0x1  }
0xbe: {  	_ =	sfence.sel $0xFFFF  }
0xbf: {  	[dreg:$0x0] =	wrdreg $0xFFFFFFFF;
	(pc) =	sbr.abs _section_cstart, $3  }
0xc0: {  	[dreg:$0x1] =	wrdreg $0xFFFFFFFF  }
0xc1: {  	_ =	task.clear_ibuf [dreg:s6], $0x2FFFF;
	_ =	strace $0x9FFFFFFF  }
0xc2: {  	(tm) =	ssettm $0x7FFFFFFF  }
0xc3: {  	_ =	shalt  }
tec
execute0_lowered:
.L_overlay_start_1:
0x0: {  	(tag) =	ssettag $0x1  }
0x1: {  	s6 =	rddreg [dreg:$0x0]  }
0x2: {  	s1 =	rddreg [dreg:$0x1]  }
0x3: {  	s0 =	rddreg [dreg:$0x2];
	s3 =	simm.s32 $0x0;
	s4 =	srdreg.scid  }
0x4: {  	s2 =	stileid.u32;
	s13 =	simm.s32 $0x4000;
	s14 =	simm.s32 $0x50  }
0x5: {  	s15 =	simm.s32 $0x8000;
	s16 =	simm.s32 $0x1;
	s17 =	simm.s32 $0x0  }
0x6: {  	[smem:$0x7FF] =	sst s3;
	s7 =	sand.u32 $0x1, s4;
	s8 =	smul.u32 $0x2780, s2  }
0x7: {  	s26 =	sshll.u32 s2, $0xC;
	s4 =	sadd.s32 $0x22800, s6;
	s11 =	smul.u32 $0x4F000, s2  }
0x8: {  	s31 =	sshll.u32 s2, $0x6;
	s5 =	sshll.u32 s7, $0xB;
	_ =	strace $0x8000004A  }
0x9: {  	s9 =	smul.u32 $0x27800, s7;
	s7 =	ssub.s32 $0x2, s7;
	s5 =	sor.u32 s5, s26  }
0xa: {  	s28 =	sshrl.u32 s7, $0x1;
	s29 =	sshrl.u32 s11, $0x2;
	s10 =	sadd.s32 s5, s6  }
0xb: {  	s5 =	sadd.s32 $0x49A00, s6;
	s8 =	sadd.s32 s8, s9;
	s30 =	ssub.s32 s7, s28  }
0xc: {  	s12 =	sadd.s32 s29, s1;
	s9 =	sadd.s32 s8, s6;
	s6 =	sor.u32 $0x1C02, s31  }
0xd: {  	s7 =	sadd.s32 $0x2800, s10;
	s8 =	sadd.s32 $0x12800, s10;
	s10 =	smax.u32 s30, $0x1  }
0xe: {  	s11 =	sshrl.u32 s12, $0x3;
	s12 =	simm.s32 $0x2;
	s9 =	sadd.s32 $0x4C200, s9  }
.LBB2_1:
0xf: {  	[spmem:s11], [sflag:s6] =	dma.local [hbm:s5], $0x2780  }
0x10: {  	_ =	swait.ge [sflag:s12], $0x2780  }
0x11: {  	[sflag:s12] =	ssyncset.done $0x0  }
0x12: {  	[sflag:s12] =	ssyncadd.s32 $0xFFFFD880  }
0x13: {  	[tilespmem:s3], [sflag:$0x2] =	stream.linear.gather [hbm4b:s7+s3], $0x3E80, $0x38;
	[tilespmem:$0x1E400] =	vst v63  }
0x14: {  	_ =	swait.ge [sflag:s12], $0x3E80  }
0x15: {  	[sflag:s12] =	ssyncset.done $0x0  }
0x16: {  	[sflag:s12] =	ssyncadd.s32 $0xFFFFC180  }
0x17: {  	[tilespmem:s13], [sflag:$0x2] =	stream.linear.gather [hbm4b:s8+s3], $0x3E80, $0x38;
	[tilespmem:$0x1E400] =	vst v63  }
0x18: {  	_ =	swait.ge [sflag:s12], $0x3E80  }
0x19: {  	[sflag:s12] =	ssyncset.done $0x0  }
0x1a: {  	[sflag:s12] =	ssyncadd.s32 $0xFFFFC180  }
0x1b: {  	s18 =	simm.s32 $0x0;
	[bflag:$0x0] =	sbarrier.arrive $0xFFFF  }
0x1c: {  	[tilespmem:s15], [sflag:$0x1] =	stream.indirect.gather [hbm4b:s4+s14], $0x80, s18, s14, $0xb8;
	[tilespmem:$0x1E400] =	vst v63  }
0x1d: {  	_ =	swait.ge [sflag:s16], $0x2800  }
0x1e: {  	[sflag:s16] =	ssyncset.done $0x0  }
0x1f: {  	s31 =	simm.s32 $0x4000;
	[sflag:s16] =	ssyncadd.s32 $0xFFFFD800  }
0x20: {  	[spmem:s1] =	stream.indirect.scatter.add.f32 [tilespmem:s15], [sflag:$0x2], $0x80, s31, s14, $0xb8;
	[tilespmem:$0x1E400] =	vst v63  }
0x21: {  	_ =	swait.ge [sflag:s12], $0x2800  }
0x22: {  	s19 =	simm.s32 $0x400;
	s18 =	simm.s32 $0x200;
	[sflag:s12] =	ssyncset.done $0x0  }
.LBB2_2:
0x23: {  	s20 =	sshra.s32 s18, $0x2  }
0x24: {  	[sflag:s12] =	ssyncadd.s32 $0xFFFFD800;
	s18 =	smov.u32 s19;
	s21 =	sadd.s32 $0x200, s19  }
0x25: {  	[tilespmem:s15], [sflag:$0x1] =	stream.indirect.gather [hbm4b:s4+s14], $0x80, s20, s14, $0xb8;
	[tilespmem:$0x1E400] =	vst v63  }
0x26: {  	p0 =	sne.s32 s19, $0xF800;
	_ =	swait.ge [sflag:s16], $0x2800  }
.Ltmp0:
0x27: {  	[sflag:s16] =	ssyncset.done $0x0;
	(pc) =	sbr.rel @p0 .LBB2_2-.Ltmp0, $4  }
0x28: {  	s19 =	sadd.s32 $0x4000, s20;
	[sflag:s16] =	ssyncadd.s32 $0xFFFFD800  }
0x29: {  	[spmem:s1] =	stream.indirect.scatter.add.f32 [tilespmem:s15], [sflag:$0x2], $0x80, s19, s14, $0xb8;
	[tilespmem:$0x1E400] =	vst v63  }
0x2a: {  	_ =	swait.ge [sflag:s12], $0x2800  }
0x2b: {  	s19 =	smov.u32 s21;
	[sflag:s12] =	ssyncset.done $0x0  }
0x2c: {  	s18 =	sshra.s32 s18, $0x2;
	[sflag:s12] =	ssyncadd.s32 $0xFFFFD800  }
0x2d: {  	[tilespmem:s15], [sflag:$0x1] =	stream.indirect.gather [hbm4b:s4+s14], $0x80, s18, s14, $0xb8;
	[tilespmem:$0x1E400] =	vst v63  }
0x2e: {  	_ =	swait.ge [sflag:s16], $0x2800  }
0x2f: {  	[sflag:s16] =	ssyncset.done $0x0  }
0x30: {  	s18 =	sadd.s32 $0x4000, s18;
	[sflag:s16] =	ssyncadd.s32 $0xFFFFD800  }
0x31: {  	[spmem:s1] =	stream.indirect.scatter.add.f32 [tilespmem:s15], [sflag:$0x2], $0x80, s18, s14, $0xb8;
	[tilespmem:$0x1E400] =	vst v63  }
0x32: {  	_ =	swait.ge [sflag:s12], $0x2800  }
0x33: {  	s17 =	sadd.s32 $0x1, s17;
	[sflag:s12] =	ssyncset.done $0x0  }
0x34: {  	p0 =	sne.s32 s17, s10;
	[sflag:s12] =	ssyncadd.s32 $0xFFFFD800  }
.Ltmp1:
0x35: {  	[bflag:$0x0] =	sbarrier.arrive $0xFFFF;
	(pc) =	sbr.rel @p0 .LBB2_1-.Ltmp1, $4  }
0x36: {  	[hbm:s9], [sflag:s6] =	dma.local [spmem:s11], $0x2780  }
0x37: {  	_ =	swait.ge [sflag:s12], $0x2780  }
0x38: {  	[sflag:s12] =	ssyncset.done $0x0  }
0x39: {  	[sflag:s12] =	ssyncadd.s32 $0xFFFFD880  }
0x3a: {  	_ =	sfence.sel $0x180000  }
0x3b: {  	[bflag:$0x0] =	sbarrier.arrive $0xFFFF  }
0x3c: {  	p0 =	sne.s32 s2, $0x0;
	_ =	strace $0x9000004A  }
0x3d: {  	s0 =	sadd.s32 @!p0 $0x100000, s0;
	[bflag:$0x2] =	sbarrier.arrive $0xFFFF  }
0x3e: {  	[sflag:s0] =	ssyncadd.tile.s32 @!p0 $0x1;
	_ =	shalt  }
.Lfunc_end2:
_tile_overlayer_lowered:
.L_overlay_start_2:
0x3f: {  	(tag) =	ssettag $0x2  }
0x40: {  	s0 =	rddreg [dreg:$0x0];
	s2 =	stileid.u32  }
0x41: {  	s1 =	rddreg [dreg:$0x1];
	p0 =	sne.s32 s2, $0x0  }
0x42: {  	s3 =	rddreg [dreg:$0x2];
	[bflag:$0x3] =	sbarrier.arrive $0xFFFF;
	s2 =	simm.s32 @!p0 $0x1C02  }
0x43: {  	[timem:s3], [sflag:s2] =	dma.local @!p0 [hbm:s0], s1  }
0x44: {  	s0 =	simm.s32 @!p0 $0x2  }
0x45: {  	_ =	swait.ge @!p0 [sflag:s0], s1  }
0x46: {  	s1 =	ssub.s32 @!p0 $0x0, s1;
	[sflag:s0] =	ssyncset.done @!p0 $0x0  }
0x47: {  	[sflag:s0] =	ssyncadd.s32 @!p0 s1  }
0x48: {  	[bflag:$0x3] =	sbarrier.arrive $0xFFFF  }
0x49: {  	_ =	shalt  }

// kernel: kernel.16.cloned.1.call-start
scs
__scs_entry_jumppad:
0x0: {  	(pc) =	sbr.rel $0x88, $3  }
0x1: {  	(tag) =	ssettag $0x0;
	lr =	simm.s32 $0x1  }
0x2: {  	[smem:$0x3F98] =	sst lr;
	_ =	strace $0xD0000000  }
0x3: {  	_ = 	snop  }
0x4: {  	_ = 	snop  }
0x5: {  	_ = 	snop  }
0x6: {  	_ = 	snop  }
0x7: {  	_ = 	snop  }
__scs_overlays_trampoline_lowered:
0x8: {  	[smem:$0x3FA7] =	sst s0  }
0x9: {  	[smem:$0x3FA8] =	sst s1  }
0xa: {  	[smem:$0x3FA9] =	sst s2  }
0xb: {  	[smem:$0x3FAA] =	sst s3  }
0xc: {  	[smem:$0x3FAB] =	sst s4  }
0xd: {  	[smem:$0x3FAC] =	sst s5  }
0xe: {  	[smem:$0x3FAD] =	sst s6  }
0xf: {  	[smem:$0x3FAE] =	sst s7  }
0x10: {  	[smem:$0x3FAF] =	sst s8  }
0x11: {  	[smem:$0x3FB0] =	sst s9;
	s0 =	simm.s32 @!p0 $0x0  }
0x12: {  	s1 =	sld [smem:$0x3F96];
	s0 =	simm.s32 @p0 $0x1  }
0x13: {  	[smem:$0x3FB1] =	sst s0;
	s0 =	simm.s32 @!p1 $0x0  }
0x14: {  	s2 =	sld [smem:$0x3F95];
	s0 =	simm.s32 @p1 $0x1  }
0x15: {  	[smem:$0x3FB2] =	sst s0;
	s0 =	simm.s32 @!p2 $0x0  }
0x16: {  	s3 =	sld [smem:$0x3FDB];
	s0 =	simm.s32 @p2 $0x1  }
0x17: {  	s4 =	simm.s32 $0x1BF5;
	[smem:$0x3FB4] =	sst s0  }
0x18: {  	s0 =	sld [smem:$0x3F97];
	_ =	swait.ge [sflag:s4], $0x0  }
0x19: {  	s7 =	sld [smem:$0x3F98]  }
0x1a: {  	s8 =	sadd.s32 $0xFFFFE003, lr  }
0x1b: {  	s9 =	sadd.s32 $0xFFFFFEF7, lr;
	s5 =	simm.s32 $0xFFFFFFFF;
	p2 =	slt.u32 s8, $0xFFFFF086  }
0x1c: {  	p1 =	slt.u32 s9, $0xF7A;
	s5 =	simm.s32 @!p2 $0x0  }
0x1d: {  	s5 =	simm.s32 @p1 $0x1;
	p0 =	seq.s32 s7, s2  }
0x1e: {  	s7 =	smul.u32 @!p0 $0xF7A, s2;
	p2 =	seq.s32 @!p0 s5, $0x0  }
0x1f: {  	s9 =	smul.u32 $0xF7A, s1;
	s8 =	simm.s32 @!p0 $0x1BF5;
	p2 =	por !p2, p0  }
0x20: {  	[sflag:s8] =	ssyncset.s32 @!p0 $0xFFFFF086;
	s6 =	sadd.s32 @!p0 s3, s7;
	s7 =	simm.s32 @!p0 $0x108  }
0x21: {  	s3 =	sadd.s32 s3, s9;
	s6 =	sadd.s32 @!p0 $0x88, s6;
	s7 =	simm.s32 @p2 $0x1082  }
0x22: {  	[simem:s7], [sflag:s8] =	dma.local @!p0 [hbm:s6], $0xF7A  }
0x23: {  	s9 =	sor.u32 $0xD0000000, s2;
	s6 =	simm.s32 $0x108;
	_ =	swait.ge @!p0 [sflag:s8], $0x0  }
0x24: {  	s3 =	sadd.s32 $0x88, s3;
	s6 =	simm.s32 @!p1 $0x1082;
	[sflag:s4] =	ssyncset.s32 $0xFFFFF086  }
0x25: {  	[simem:s6], [sflag:s4] =	dma.local [hbm:s3], $0xF7A  }
0x26: {  	[smem:$0x3F98] =	sst s1;
	(tag) =	ssettag s2;
	_ =	strace s9  }
0x27: {  	s1 =	sld [smem:$0x3FA8]  }
0x28: {  	s2 =	sld [smem:$0x3FA9]  }
0x29: {  	s4 =	sld [smem:$0x3FAB]  }
0x2a: {  	p0 =	seq.s32 s5, $0x0;
	s5 =	sld [smem:$0x3FAC]  }
0x2b: {  	s6 =	sld [smem:$0x3FAD]  }
0x2c: {  	s7 =	sld [smem:$0x3FAE]  }
0x2d: {  	s3 =	simm.s32 $0x108;
	s8 =	sld [smem:$0x3FAF]  }
0x2e: {  	s3 =	simm.s32 @!p0 $0x1082;
	s9 =	sld [smem:$0x3FB0]  }
0x2f: {  	lr =	sadd.s32 s0, s3;
	s0 =	sld [smem:$0x3FA7]  }
0x30: {  	s3 =	sld [smem:$0x3FAA]  }
0x31: {  	[smem:$0x3FB3] =	sst s10  }
0x32: {  	s10 =	sld [smem:$0x3FB1];
	_ =	sdelay $0x3  }
0x33: {  	p0 =	seq.s32 s10, $0x1;
	s10 =	sld [smem:$0x3FB3];
	_ =	sdelay $0x3  }
0x34: {  	[smem:$0x3FB3] =	sst s10  }
0x35: {  	s10 =	sld [smem:$0x3FB2];
	_ =	sdelay $0x3  }
0x36: {  	p1 =	seq.s32 s10, $0x1;
	s10 =	sld [smem:$0x3FB3];
	_ =	sdelay $0x3  }
0x37: {  	[smem:$0x3FB3] =	sst s10  }
0x38: {  	s10 =	sld [smem:$0x3FB4]  }
0x39: {  	_ = 	snop;
	(pc) =	sbr.ind lr, $3  }
0x3a: {  	_ = 	snop  }
0x3b: {  	_ = 	snop  }
0x3c: {  	p2 =	seq.s32 s10, $0x1;
	s10 =	sld [smem:$0x3FB3]  }
0x3d: {  	_ =	shalt  }
0x3e: {  	_ =	shalt  }
0x3f: {  	_ =	shalt  }
0x40: {  	_ =	shalt  }
0x41: {  	_ =	shalt  }
0x42: {  	_ =	shalt  }
0x43: {  	_ =	shalt  }
0x44: {  	_ =	shalt  }
0x45: {  	_ =	shalt  }
0x46: {  	_ =	shalt  }
0x47: {  	_ =	shalt  }
0x48: {  	_ =	shalt  }
0x49: {  	_ =	shalt  }
0x4a: {  	_ =	shalt  }
0x4b: {  	_ =	shalt  }
0x4c: {  	_ =	shalt  }
0x4d: {  	_ =	shalt  }
0x4e: {  	_ =	shalt  }
0x4f: {  	_ =	shalt  }
0x50: {  	_ =	shalt  }
0x51: {  	_ =	shalt  }
0x52: {  	_ =	shalt  }
0x53: {  	_ =	shalt  }
0x54: {  	_ =	shalt  }
0x55: {  	_ =	shalt  }
0x56: {  	_ =	shalt  }
0x57: {  	_ =	shalt  }
0x58: {  	_ =	shalt  }
0x59: {  	_ =	shalt  }
0x5a: {  	_ =	shalt  }
0x5b: {  	_ =	shalt  }
0x5c: {  	_ =	shalt  }
0x5d: {  	_ =	shalt  }
0x5e: {  	_ =	shalt  }
0x5f: {  	_ =	shalt  }
0x60: {  	_ =	shalt  }
0x61: {  	_ =	shalt  }
0x62: {  	_ =	shalt  }
0x63: {  	_ =	shalt  }
0x64: {  	_ =	shalt  }
0x65: {  	_ =	shalt  }
0x66: {  	_ =	shalt  }
0x67: {  	_ =	shalt  }
0x68: {  	_ =	shalt  }
0x69: {  	_ =	shalt  }
0x6a: {  	_ =	shalt  }
0x6b: {  	_ =	shalt  }
0x6c: {  	_ =	shalt  }
0x6d: {  	_ =	shalt  }
0x6e: {  	_ =	shalt  }
0x6f: {  	_ =	shalt  }
0x70: {  	_ =	shalt  }
0x71: {  	_ =	shalt  }
0x72: {  	_ =	shalt  }
0x73: {  	_ =	shalt  }
0x74: {  	_ =	shalt  }
0x75: {  	_ =	shalt  }
0x76: {  	_ =	shalt  }
0x77: {  	_ =	shalt  }
0x78: {  	_ =	shalt  }
0x79: {  	_ =	shalt  }
0x7a: {  	_ =	shalt  }
0x7b: {  	_ =	shalt  }
0x7c: {  	_ =	shalt  }
0x7d: {  	_ =	shalt  }
0x7e: {  	_ =	shalt  }
0x7f: {  	_ =	shalt  }
0x80: {  	_ =	shalt  }
0x81: {  	_ =	shalt  }
0x82: {  	_ =	shalt  }
0x83: {  	_ =	shalt  }
0x84: {  	_ =	shalt  }
0x85: {  	_ =	shalt  }
0x86: {  	_ =	shalt  }
0x87: {  	_ =	shalt  }
.Lfunc_end0:
.L_simem_size_0:
called_computation.2_lowered:
.L_overlay_start_0:
0x88: {  	s2 =	sld [smem:$0x3FD9]  }
0x89: {  	s3 =	sld [smem:$0x3FFE];
	_ =	sdelay $0x1  }
0x8a: {  	s1 =	srdreg.scid  }
0x8b: {  	s0 =	sand.u32 $0x1, s1  }
0x8c: {  	s16 =	sshll.u32 s0, $0xA;
	s2 =	sadd.s32 s3, s2  }
0x8d: {  	s2 =	sadd.s32 s2, s16  }
0x8e: {  	[smem:$0x3FBF] =	sst s2  }
0x8f: {  	_ = 	snop  }
0x90: {  	(tm) =	ssettm $0x1  }
0x91: {  	s17 =	sld [smem:$0x3FFB];
	_ =	sdelay $0x3  }
0x92: {  	_ =	strace s17  }
0x93: {  	s2 =	sld [smem:$0x3FFC];
	_ =	sdelay $0x3  }
0x94: {  	_ =	strace s2  }
0x95: {  	s2 =	sld [smem:$0x3FFD];
	_ =	sdelay $0x3  }
0x96: {  	_ =	strace s2  }
0x97: {  	_ =	strace $0x8FFFFFFF  }
0x98: {  	s18 =	sld [smem:$0x3FDB];
	_ =	sdelay $0x1  }
0x99: {  	s19 =	simm.s32 $_scs_section_size  }
0x9a: {  	s4 =	simm.s32 $_size__tile_overlayer_lowered;
	s5 =	simm.s32 $_tile_overlayer_lowered  }
0x9b: {  	s22 =	simm.s32 $0x1BFF;
	s21 =	sshll.u32 s5, $0x1;
	s2 =	sadd.s32 s19, s18  }
0x9c: {  	s6 =	simm.s32 $0x0;
	s20 =	sshll.u32 s4, $0x1;
	s4 =	sadd.s32 s21, s2  }
0x9d: {  	[timem:s6], [sflag:s22] =	dma.local [hbm:s4], s20  }
0x9e: {  	_ =	swait.ge [sflag:s22], s20  }
0x9f: {  	s3 =	ssub.s32 $0x0, s20;
	[sflag:s22] =	ssyncset.done $0x0  }
0xa0: {  	[sflag:s22] =	ssyncadd.s32 s3;
	_ =	sdelay $0x1  }
0xa1: {  	s23 =	simm.s32 $0x1B8B  }
0xa2: {  	_ =	swait.ge [sflag:s23], $0x1  }
0xa3: {  	[sflag:s23] =	ssyncset.done $0x0  }
0xa4: {  	s25 =	simm.s32 $0x1B8E;
	s24 =	sld [smem:$0x3FFE];
	[sflag:s23] =	ssyncadd.s32 $0xFFFFFFFF  }
0xa5: {  	s26 =	simm.s32 $execute0_lowered;
	[smem:$0x3FD2] =	sst s25  }
0xa6: {  	s4 =	sshll.u32 s26, $0x1;
	_ =	strace $0x8000004C;
	[dreg:$0x1] =	wrdreg $0xFFFFFFFF  }
0xa7: {  	s28 =	simm.s32 $_size_execute0_lowered;
	s2 =	sadd.s32 s2, s4;
	[dreg:$0x0] =	wrdreg $0x0  }
0xa8: {  	s4 =	sshll.u32 s28, $0x1;
	[dreg:$0x2] =	wrdreg s2  }
0xa9: {  	[dreg:$0x3] =	wrdreg s4  }
0xaa: {  	[dreg:$0x4] =	wrdreg $0xC0  }
0xab: {  	_ =	task [dreg:s6], $0x5FFFF  }
0xac: {  	[dreg:$0x1] =	wrdreg $0xFFFFFFFF  }
0xad: {  	[dreg:$0x0] =	wrdreg $0x60  }
0xae: {  	[dreg:$0x2] =	wrdreg s24  }
0xaf: {  	[dreg:$0x3] =	wrdreg $0xA8000  }
0xb0: {  	[dreg:$0x4] =	wrdreg $0x9  }
0xb1: {  	_ =	task.clear_ibuf [dreg:s6], $0x5FFFF;
	_ =	strace $0x9000004C  }
0xb2: {  	s29 =	simm.s32 $0x9;
	_ =	strace $0x8000004E  }
0xb3: {  	_ =	swait.ge [sflag:s29], $0x1  }
0xb4: {  	[sflag:s29] =	ssyncadd.s32 $0xFFFFFFFF  }
0xb5: {  	_ =	strace $0x9000004E  }
0xb6: {  	_ =	sfence  }
0xb7: {  	s30 =	sld [smem:$0x0];
	_ =	sdelay $0x2  }
0xb8: {  	s31 =	sshll.u32 s1, $0xD;
	s1 =	sshrl.u32 s1, $0x2  }
0xb9: {  	s3 =	sand.u32 $0x4000, s31;
	s1 =	sadd.s32 s1, s30  }
0xba: {  	s0 =	sor.u32 s3, s0;
	s1 =	sshll.u32 s1, $0x11  }
0xbb: {  	s0 =	sor.u32 s1, s0  }
0xbc: {  	s0 =	sadd.s32 $0x8F2B, s0  }
0xbd: {  	[sflag:s0] =	ssyncadd.remote.s32 $0x1  }
0xbe: {  	_ =	sfence.sel $0xFFFF  }
0xbf: {  	[dreg:$0x0] =	wrdreg $0xFFFFFFFF;
	(pc) =	sbr.abs _section_cstart, $3  }
0xc0: {  	[dreg:$0x1] =	wrdreg $0xFFFFFFFF  }
0xc1: {  	_ =	task.clear_ibuf [dreg:s6], $0x2FFFF;
	_ =	strace $0x9FFFFFFF  }
0xc2: {  	(tm) =	ssettm $0x7FFFFFFF  }
0xc3: {  	_ =	shalt  }
tec
execute0_lowered:
.L_overlay_start_1:
0x0: {  	(tag) =	ssettag $0x1  }
0x1: {  	s6 =	rddreg [dreg:$0x0]  }
0x2: {  	s1 =	rddreg [dreg:$0x1]  }
0x3: {  	s0 =	rddreg [dreg:$0x2];
	s3 =	simm.s32 $0x0;
	s4 =	srdreg.scid  }
0x4: {  	s2 =	stileid.u32;
	s13 =	simm.s32 $0x4000;
	s14 =	simm.s32 $0x50  }
0x5: {  	s15 =	simm.s32 $0x8000;
	s16 =	simm.s32 $0x1;
	s17 =	simm.s32 $0x0  }
0x6: {  	[smem:$0x7FF] =	sst s3;
	s7 =	sand.u32 $0x1, s4;
	s8 =	smul.u32 $0x2780, s2  }
0x7: {  	s26 =	sshll.u32 s2, $0xC;
	s4 =	sadd.s32 $0x22800, s6;
	s11 =	smul.u32 $0x4F000, s2  }
0x8: {  	s31 =	sshll.u32 s2, $0x6;
	s5 =	sshll.u32 s7, $0xB;
	_ =	strace $0x8000004D  }
0x9: {  	s9 =	smul.u32 $0x27800, s7;
	s7 =	ssub.s32 $0x2, s7;
	s5 =	sor.u32 s5, s26  }
0xa: {  	s28 =	sshrl.u32 s7, $0x1;
	s29 =	sshrl.u32 s11, $0x2;
	s10 =	sadd.s32 s5, s6  }
0xb: {  	s5 =	sadd.s32 $0x49A00, s6;
	s8 =	sadd.s32 s8, s9;
	s30 =	ssub.s32 s7, s28  }
0xc: {  	s12 =	sadd.s32 s29, s1;
	s9 =	sadd.s32 s8, s6;
	s6 =	sor.u32 $0x1C02, s31  }
0xd: {  	s7 =	sadd.s32 $0x2800, s10;
	s8 =	sadd.s32 $0x12800, s10;
	s10 =	smax.u32 s30, $0x1  }
0xe: {  	s11 =	sshrl.u32 s12, $0x3;
	s12 =	simm.s32 $0x2;
	s9 =	sadd.s32 $0x4C200, s9  }
.LBB2_1:
0xf: {  	[spmem:s11], [sflag:s6] =	dma.local [hbm:s5], $0x2780  }
0x10: {  	_ =	swait.ge [sflag:s12], $0x2780  }
0x11: {  	[sflag:s12] =	ssyncset.done $0x0  }
0x12: {  	[sflag:s12] =	ssyncadd.s32 $0xFFFFD880  }
0x13: {  	[tilespmem:s3], [sflag:$0x2] =	stream.linear.gather [hbm4b:s7+s3], $0x3E80, $0x38;
	[tilespmem:$0x1E400] =	vst v63  }
0x14: {  	_ =	swait.ge [sflag:s12], $0x3E80  }
0x15: {  	[sflag:s12] =	ssyncset.done $0x0  }
0x16: {  	[sflag:s12] =	ssyncadd.s32 $0xFFFFC180  }
0x17: {  	[tilespmem:s13], [sflag:$0x2] =	stream.linear.gather [hbm4b:s8+s3], $0x3E80, $0x38;
	[tilespmem:$0x1E400] =	vst v63  }
0x18: {  	_ =	swait.ge [sflag:s12], $0x3E80  }
0x19: {  	[sflag:s12] =	ssyncset.done $0x0  }
0x1a: {  	[sflag:s12] =	ssyncadd.s32 $0xFFFFC180  }
0x1b: {  	s18 =	simm.s32 $0x0;
	[bflag:$0x0] =	sbarrier.arrive $0xFFFF  }
0x1c: {  	[tilespmem:s15], [sflag:$0x1] =	stream.indirect.gather [hbm4b:s4+s14], $0x80, s18, s14, $0xb8;
	[tilespmem:$0x1E400] =	vst v63  }
0x1d: {  	_ =	swait.ge [sflag:s16], $0x2800  }
0x1e: {  	[sflag:s16] =	ssyncset.done $0x0  }
0x1f: {  	s31 =	simm.s32 $0x4000;
	[sflag:s16] =	ssyncadd.s32 $0xFFFFD800  }
0x20: {  	[spmem:s1] =	stream.indirect.scatter.add.f32 [tilespmem:s15], [sflag:$0x2], $0x80, s31, s14, $0xb8;
	[tilespmem:$0x1E400] =	vst v63  }
0x21: {  	_ =	swait.ge [sflag:s12], $0x2800  }
0x22: {  	s19 =	simm.s32 $0x400;
	s18 =	simm.s32 $0x200;
	[sflag:s12] =	ssyncset.done $0x0  }
.LBB2_2:
0x23: {  	s20 =	sshra.s32 s18, $0x2  }
0x24: {  	[sflag:s12] =	ssyncadd.s32 $0xFFFFD800;
	s18 =	smov.u32 s19;
	s21 =	sadd.s32 $0x200, s19  }
0x25: {  	[tilespmem:s15], [sflag:$0x1] =	stream.indirect.gather [hbm4b:s4+s14], $0x80, s20, s14, $0xb8;
	[tilespmem:$0x1E400] =	vst v63  }
0x26: {  	p0 =	sne.s32 s19, $0xF800;
	_ =	swait.ge [sflag:s16], $0x2800  }
.Ltmp0:
0x27: {  	[sflag:s16] =	ssyncset.done $0x0;
	(pc) =	sbr.rel @p0 .LBB2_2-.Ltmp0, $4  }
0x28: {  	s19 =	sadd.s32 $0x4000, s20;
	[sflag:s16] =	ssyncadd.s32 $0xFFFFD800  }
0x29: {  	[spmem:s1] =	stream.indirect.scatter.add.f32 [tilespmem:s15], [sflag:$0x2], $0x80, s19, s14, $0xb8;
	[tilespmem:$0x1E400] =	vst v63  }
0x2a: {  	_ =	swait.ge [sflag:s12], $0x2800  }
0x2b: {  	s19 =	smov.u32 s21;
	[sflag:s12] =	ssyncset.done $0x0  }
0x2c: {  	s18 =	sshra.s32 s18, $0x2;
	[sflag:s12] =	ssyncadd.s32 $0xFFFFD800  }
0x2d: {  	[tilespmem:s15], [sflag:$0x1] =	stream.indirect.gather [hbm4b:s4+s14], $0x80, s18, s14, $0xb8;
	[tilespmem:$0x1E400] =	vst v63  }
0x2e: {  	_ =	swait.ge [sflag:s16], $0x2800  }
0x2f: {  	[sflag:s16] =	ssyncset.done $0x0  }
0x30: {  	s18 =	sadd.s32 $0x4000, s18;
	[sflag:s16] =	ssyncadd.s32 $0xFFFFD800  }
0x31: {  	[spmem:s1] =	stream.indirect.scatter.add.f32 [tilespmem:s15], [sflag:$0x2], $0x80, s18, s14, $0xb8;
	[tilespmem:$0x1E400] =	vst v63  }
0x32: {  	_ =	swait.ge [sflag:s12], $0x2800  }
0x33: {  	s17 =	sadd.s32 $0x1, s17;
	[sflag:s12] =	ssyncset.done $0x0  }
0x34: {  	p0 =	sne.s32 s17, s10;
	[sflag:s12] =	ssyncadd.s32 $0xFFFFD800  }
.Ltmp1:
0x35: {  	[bflag:$0x0] =	sbarrier.arrive $0xFFFF;
	(pc) =	sbr.rel @p0 .LBB2_1-.Ltmp1, $4  }
0x36: {  	[hbm:s9], [sflag:s6] =	dma.local [spmem:s11], $0x2780  }
0x37: {  	_ =	swait.ge [sflag:s12], $0x2780  }
0x38: {  	[sflag:s12] =	ssyncset.done $0x0  }
0x39: {  	[sflag:s12] =	ssyncadd.s32 $0xFFFFD880  }
0x3a: {  	_ =	sfence.sel $0x180000  }
0x3b: {  	[bflag:$0x0] =	sbarrier.arrive $0xFFFF  }
0x3c: {  	p0 =	sne.s32 s2, $0x0;
	_ =	strace $0x9000004D  }
0x3d: {  	s0 =	sadd.s32 @!p0 $0x100000, s0;
	[bflag:$0x2] =	sbarrier.arrive $0xFFFF  }
0x3e: {  	[sflag:s0] =	ssyncadd.tile.s32 @!p0 $0x1;
	_ =	shalt  }
.Lfunc_end2:
_tile_overlayer_lowered:
.L_overlay_start_2:
0x3f: {  	(tag) =	ssettag $0x2  }
0x40: {  	s0 =	rddreg [dreg:$0x0];
	s2 =	stileid.u32  }
0x41: {  	s1 =	rddreg [dreg:$0x1];
	p0 =	sne.s32 s2, $0x0  }
0x42: {  	s3 =	rddreg [dreg:$0x2];
	[bflag:$0x3] =	sbarrier.arrive $0xFFFF;
	s2 =	simm.s32 @!p0 $0x1C02  }
0x43: {  	[timem:s3], [sflag:s2] =	dma.local @!p0 [hbm:s0], s1  }
0x44: {  	s0 =	simm.s32 @!p0 $0x2  }
0x45: {  	_ =	swait.ge @!p0 [sflag:s0], s1  }
0x46: {  	s1 =	ssub.s32 @!p0 $0x0, s1;
	[sflag:s0] =	ssyncset.done @!p0 $0x0  }
0x47: {  	[sflag:s0] =	ssyncadd.s32 @!p0 s1  }
0x48: {  	[bflag:$0x3] =	sbarrier.arrive $0xFFFF  }
0x49: {  	_ =	shalt  }

</sc_bundles>
